<compile_context>
chip_gen: v7x
topology: tpu7x:2x2x1
jax: 0.10.2.dev20260603
libtpu: 0.0.44.dev20260713+nightly
codegen_flags: <defaults>
</compile_context>

<pallas_src>
import functools

import jax
import jax.numpy as jnp
from jax import lax
from jax.experimental import pallas as pl
from jax.experimental.pallas import tpu as pltpu
from jax.experimental.pallas import tpu_sc as plsc

N = 10000
E = 320000
D = 128
H = 128
C = 10
G = 16
EPS = 1e-5

NC = 2
NS = 16
NW = NC * NS
EPW = E // NW
CH = 80
NCH = EPW // CH
NBUF = 5
NP = 10240
RPT = NP // NS
RB = 1000
NB = N // RB


def _sc_mesh():
    return plsc.VectorSubcoreMesh(core_axis_name="c", subcore_axis_name="s")


def _sc_degree(dst3, ones128, z128):

    @functools.partial(
        pl.kernel,
        out_type=jax.ShapeDtypeStruct((NC, NP, H), jnp.float32),
        mesh=_sc_mesh(),
        scratch_types=[
            pltpu.VMEM((NCH, CH), jnp.int32),
            pltpu.VMEM((CH, H), jnp.float32),
            pltpu.VMEM_SHARED((NP, H), jnp.float32),
            pltpu.SemaphoreType.DMA((NBUF,)),
        ],
    )
    def deg_kernel(dst_hbm, ones_hbm, z_hbm, out_hbm, didx, ones_v, acc, sems):
        c = lax.axis_index("c")
        s = lax.axis_index("s")
        wid = s * NC + c
        pltpu.sync_copy(z_hbm.at[pl.ds(s * RPT, RPT)], acc.at[pl.ds(s * RPT, RPT)])
        pltpu.sync_copy(dst_hbm.at[wid], didx)
        pltpu.sync_copy(ones_hbm, ones_v)
        plsc.subcore_barrier()

        def fire(i, b):
            pltpu.async_copy(ones_v, acc.at[didx.at[i]], sems.at[b], add=True)

        def drain(b):
            pltpu.make_async_copy(z_hbm.at[pl.ds(0, CH)], ones_v, sems.at[b]).wait()

        for b in range(NBUF):
            fire(b, b)

        def body(j, carry):
            i0 = NBUF * (j + 1)
            for b in range(NBUF):
                drain(b)
                fire(i0 + b, b)
            return carry

        lax.fori_loop(0, NCH // NBUF - 1, body, 0)
        for b in range(NBUF):
            drain(b)
        plsc.subcore_barrier()
        pltpu.sync_copy(acc.at[pl.ds(s * RPT, RPT)], out_hbm.at[c, pl.ds(s * RPT, RPT)])

    return deg_kernel(dst3, ones128, z128)


def _sc_scatter(src3, dst3, xs, z128):

    @functools.partial(
        pl.kernel,
        out_type=jax.ShapeDtypeStruct((NC, NP, H), jnp.float32),
        mesh=_sc_mesh(),
        scratch_types=[
            pltpu.VMEM((NCH, CH), jnp.int32),
            pltpu.VMEM((NCH, CH), jnp.int32),
            pltpu.VMEM((CH, H), jnp.float32),
            pltpu.VMEM_SHARED((NP, H), jnp.float32),
        ],
    )
    def mp_kernel(src_hbm, dst_hbm, xs_hbm, z_hbm, out_hbm, sidx, didx, rows, acc):
        c = lax.axis_index("c")
        s = lax.axis_index("s")
        wid = s * NC + c
        pltpu.sync_copy(z_hbm.at[pl.ds(s * RPT, RPT)], acc.at[pl.ds(s * RPT, RPT)])
        pltpu.sync_copy(src_hbm.at[wid], sidx)
        pltpu.sync_copy(dst_hbm.at[wid], didx)
        plsc.subcore_barrier()

        def body(i, carry):
            pltpu.sync_copy(xs_hbm.at[sidx.at[i]], rows)
            pltpu.sync_copy(rows, acc.at[didx.at[i]], add=True)
            return carry

        lax.fori_loop(0, NCH, body, 0)
        plsc.subcore_barrier()
        pltpu.sync_copy(acc.at[pl.ds(s * RPT, RPT)], out_hbm.at[c, pl.ds(s * RPT, RPT)])

    return mp_kernel(src3, dst3, xs, z128)


def _tc_prep(x, W1, degp):

    def body(x_ref, w_ref, deg_ref, xs_ref, dinv_ref):
        dinv = lax.rsqrt(deg_ref[0] + deg_ref[1] + 1.0)
        xw = jnp.dot(x_ref[...], w_ref[...], preferred_element_type=jnp.float32)
        xs_ref[...] = xw * dinv
        dinv_ref[...] = dinv

    return pl.pallas_call(
        body,
        grid=(NB,),
        in_specs=[
            pl.BlockSpec((RB, D), lambda i: (i, 0)),
            pl.BlockSpec((D, H), lambda i: (0, 0)),
            pl.BlockSpec((NC, RB, H), lambda i: (0, i, 0)),
        ],
        out_specs=[
            pl.BlockSpec((RB, H), lambda i: (i, 0)),
            pl.BlockSpec((RB, H), lambda i: (i, 0)),
        ],
        out_shape=[
            jax.ShapeDtypeStruct((N, H), jnp.float32),
            jax.ShapeDtypeStruct((N, H), jnp.float32),
        ],
    )(x, W1, degp)


def _tc_mid(accp, xs1, dinv, b1, W2):

    def body(acc_ref, xs_ref, dinv_ref, b_ref, w_ref, out_ref):
        t = dinv_ref[...] * (acc_ref[0] + acc_ref[1] + xs_ref[...]) + b_ref[...]
        h = jnp.where(t >= 0.0, t, 0.2 * t)
        out_ref[...] = dinv_ref[...] * jnp.dot(
            h, w_ref[...], preferred_element_type=jnp.float32)

    return pl.pallas_call(
        body,
        grid=(NB,),
        in_specs=[
            pl.BlockSpec((NC, RB, H), lambda i: (0, i, 0)),
            pl.BlockSpec((RB, H), lambda i: (i, 0)),
            pl.BlockSpec((RB, H), lambda i: (i, 0)),
            pl.BlockSpec((1, H), lambda i: (0, 0)),
            pl.BlockSpec((H, H), lambda i: (0, 0)),
        ],
        out_specs=pl.BlockSpec((RB, H), lambda i: (i, 0)),
        out_shape=jax.ShapeDtypeStruct((N, H), jnp.float32),
    )(accp, xs1, dinv, b1, W2)


def _tc_final(accp, xs2, dinv, b2, gam, bet, mean, var, batch3, fc_W, fc_b):

    def body(acc_ref, xs_ref, dinv_ref, b_ref, g_ref, be_ref, m_ref, v_ref,
             bt_ref, fw_ref, fb_ref, out_ref, pool_acc, cnt_acc):
        i = pl.program_id(0)
        t = dinv_ref[...] * (acc_ref[0] + acc_ref[1] + xs_ref[...]) + b_ref[...]
        h = jnp.where(t >= 0.0, t, 0.2 * t)
        y = (h - m_ref[...]) * lax.rsqrt(v_ref[...] + EPS) * g_ref[...] + be_ref[...]
        bt = bt_ref[0, 0, :]
        oh = (bt[:, None] == lax.broadcasted_iota(jnp.int32, (RB, G), 1))
        oh = oh.astype(jnp.float32)
        pp = lax.dot_general(oh, y, (((0,), (0,)), ((), ())),
                             preferred_element_type=jnp.float32)
        cp = jnp.broadcast_to(jnp.sum(oh, axis=0)[:, None], (G, H))

        @pl.when(i == 0)
        def _():
            pool_acc[...] = pp
            cnt_acc[...] = cp

        @pl.when(i > 0)
        def _():
            pool_acc[...] += pp
            cnt_acc[...] += cp

        @pl.when(i == NB - 1)
        def _():
            pooled = pool_acc[...] / jnp.maximum(cnt_acc[...], 1.0)
            logits = jnp.dot(pooled, fw_ref[...],
                             preferred_element_type=jnp.float32) + fb_ref[...]
            mx = jnp.max(logits, axis=1, keepdims=True)
            ex = jnp.exp(logits - mx)
            out_ref[...] = logits - mx - jnp.log(jnp.sum(ex, axis=1, keepdims=True))

    return pl.pallas_call(
        body,
        grid=(NB,),
        in_specs=[
            pl.BlockSpec((NC, RB, H), lambda i: (0, i, 0)),
            pl.BlockSpec((RB, H), lambda i: (i, 0)),
            pl.BlockSpec((RB, H), lambda i: (i, 0)),
            pl.BlockSpec((1, H), lambda i: (0, 0)),
            pl.BlockSpec((1, H), lambda i: (0, 0)),
            pl.BlockSpec((1, H), lambda i: (0, 0)),
            pl.BlockSpec((1, H), lambda i: (0, 0)),
            pl.BlockSpec((1, H), lambda i: (0, 0)),
            pl.BlockSpec((1, 1, RB), lambda i: (i, 0, 0)),
            pl.BlockSpec((H, C), lambda i: (0, 0)),
            pl.BlockSpec((1, C), lambda i: (0, 0)),
        ],
        out_specs=pl.BlockSpec((G, C), lambda i: (0, 0)),
        out_shape=jax.ShapeDtypeStruct((G, C), jnp.float32),
        scratch_shapes=[
            pltpu.VMEM((G, H), jnp.float32),
            pltpu.VMEM((G, H), jnp.float32),
        ],
    )(accp, xs2, dinv, b2, gam, bet, mean, var, batch3, fc_W, fc_b)


def kernel(x, edge_index, batch, W1, b1, W2, b2, bn_gamma, bn_beta,
           bn_mean, bn_var, fc_W, fc_b):
    src3 = edge_index[0].reshape(NW, NCH, CH)
    dst3 = edge_index[1].reshape(NW, NCH, CH)
    ones128 = jnp.ones((CH, H), jnp.float32)
    z128 = jnp.zeros((NP, H), jnp.float32)
    batch3 = batch.reshape(NB, 1, RB)

    degp = _sc_degree(dst3, ones128, z128)
    xs1, dinv = _tc_prep(x, W1, degp)
    acc1 = _sc_scatter(src3, dst3, xs1, z128)
    xs2 = _tc_mid(acc1, xs1, dinv, b1[None], W2)
    acc2 = _sc_scatter(src3, dst3, xs2, z128)
    return _tc_final(acc2, xs2, dinv, b2[None], bn_gamma[None], bn_beta[None],
                     bn_mean[None], bn_var[None], batch3, fc_W, fc_b[None])

# --- scband reference (transcript-rebuilt; emitter-appended) ---
"""Pipeline reference for scband-rgcmodel-48464410968240 (READ-ONLY COPY).

The authoritative reference and input builder live on the scoring server;
editing this copy changes nothing except your own understanding.
"""

import jax, jax.numpy as jnp
import numpy as np

N = 10000
E = 320000
D = 128
H = 128
C = 10
G = 16
EPS = 1e-5


def setup_inputs(seed: int = 0) -> dict:
    key = jax.random.key(seed)
    ks = jax.random.split(key, 8)
    x = jax.random.normal(ks[0], (N, D), dtype=jnp.float32)
    edge_index = jax.random.randint(ks[1], (2, E), 0, N, dtype=jnp.int32)
    batch = jnp.sort(jax.random.randint(ks[2], (N,), 0, G, dtype=jnp.int32))
    # glorot-style init for GCN weights, xavier for fc
    W1 = jax.random.normal(ks[3], (D, H), dtype=jnp.float32) * np.sqrt(2.0 / (D + H))
    b1 = jnp.zeros((H,), dtype=jnp.float32)
    W2 = jax.random.normal(ks[4], (H, H), dtype=jnp.float32) * np.sqrt(2.0 / (H + H))
    b2 = jnp.zeros((H,), dtype=jnp.float32)
    bn_gamma = jnp.ones((H,), dtype=jnp.float32)
    bn_beta = jnp.zeros((H,), dtype=jnp.float32)
    bn_mean = jnp.zeros((H,), dtype=jnp.float32)
    bn_var = jnp.ones((H,), dtype=jnp.float32)
    fc_W = jax.random.normal(ks[5], (H, C), dtype=jnp.float32) * np.sqrt(6.0 / (H + C))
    fc_b = jnp.zeros((C,), dtype=jnp.float32)
    return {"x": x, "edge_index": edge_index, "batch": batch,
            "W1": W1, "b1": b1, "W2": W2, "b2": b2,
            "bn_gamma": bn_gamma, "bn_beta": bn_beta,
            "bn_mean": bn_mean, "bn_var": bn_var,
            "fc_W": fc_W, "fc_b": fc_b}


def _gcn_conv(x, W, b, src, dst, n):
    # PyG GCNConv: add self-loops, symmetric normalization, sum aggregation
    xw = x @ W
    deg = jnp.zeros((n,), dtype=xw.dtype).at[dst].add(1.0)
    dinv = jnp.where(deg > 0, 1.0 / jnp.sqrt(deg), 0.0)
    norm = dinv[src] * dinv[dst]
    msg = xw[src] * norm[:, None]
    out = jnp.zeros((n, W.shape[1]), dtype=xw.dtype).at[dst].add(msg)
    return out + b


def reference(x, edge_index, batch, W1, b1, W2, b2, bn_gamma, bn_beta, bn_mean, bn_var, fc_W, fc_b):
    # add self-loops once
    loop = jnp.arange(N, dtype=edge_index.dtype)
    src = jnp.concatenate([edge_index[0], loop])
    dst = jnp.concatenate([edge_index[1], loop])

    h = _gcn_conv(x, W1, b1, src, dst, N)
    h = jax.nn.leaky_relu(h, negative_slope=0.2)
    # dropout: identity in eval mode
    h = _gcn_conv(h, W2, b2, src, dst, N)
    h = jax.nn.leaky_relu(h, negative_slope=0.2)
    # BatchNorm1d eval mode with running stats
    h = (h - bn_mean) / jnp.sqrt(bn_var + EPS) * bn_gamma + bn_beta
    # global mean pool over batch segments
    sums = jnp.zeros((G, H), dtype=h.dtype).at[batch].add(h)
    counts = jnp.zeros((G,), dtype=h.dtype).at[batch].add(1.0)
    pooled = sums / jnp.maximum(counts, 1.0)[:, None]
    logits = pooled @ fc_W + fc_b
    return jax.nn.log_softmax(logits, axis=1)

if __name__ == "__main__":
    import jax
    _d = setup_inputs()
    print(jax.jit(kernel)(*tuple(_d.values())))

</pallas_src>

<mosaic_0001>
#map = affine_map<(d0, d1) -> (0, 0, 0)>
#map1 = affine_map<(d0, d1) -> (0, 0)>
module attributes {stable_mosaic.version = 14 : i64} {
  func.func @mp_kernel(%arg0: i32, %arg1: i32, %arg2: memref<32x125x80xi32, #tpu.memory_space<hbm>>, %arg3: memref<32x125x80xi32, #tpu.memory_space<hbm>>, %arg4: memref<10000x128xf32, #tpu.memory_space<hbm>>, %arg5: memref<10240x128xf32, #tpu.memory_space<hbm>>, %arg6: memref<2x10240x128xf32, #tpu.memory_space<hbm>>, %arg7: memref<125x80xi32, #tpu.memory_space<vmem>>, %arg8: memref<125x80xi32, #tpu.memory_space<vmem>>, %arg9: memref<80x128xf32, #tpu.memory_space<vmem>>, %arg10: memref<10240x128xf32, #tpu.memory_space<vmem_shared>>) attributes {dimension_semantics = [#tpu.dimension_semantics<core_parallel>, #tpu.dimension_semantics<subcore_parallel>], iteration_bounds = array<i64: 2, 16>, scalar_prefetch = 0 : i64, scratch_operands = 4 : i64, tpu.core_type = #tpu.core_type<sc_vector_subcore>, window_params = [{transform_indices = #map}, {transform_indices = #map}, {transform_indices = #map1}, {transform_indices = #map1}, {transform_indices = #map}]} {
    %mul3A = arith.constant 2 : i32
    %mul3A_0 = arith.muli %arg1, %mul3A : i32
    %add3A = arith.addi %mul3A_0, %arg0 : i32
    %mul3A_1 = arith.constant 640 : i32
    %mul3A_2 = arith.muli %arg1, %mul3A_1 : i32
    %mul3A_3 = arith.constant 640 : i32
    %mul3A_4 = arith.muli %arg1, %mul3A_3 : i32
    "tpu.region"() ({
      %run_scoped3A = tpu.sem_alloc : memref<!tpu.dma_semaphore, #tpu.memory_space<semaphore_mem>>
      %dma_start3A = arith.constant 0 : i32
      %dma_start3A_15 = tpu.memref_slice %arg10[%mul3A_4, %dma_start3A] : memref<10240x128xf32, #tpu.memory_space<vmem_shared>> -> memref<640x128xf32, #tpu.memory_space<vmem_shared>>
      %dma_start3A_16 = arith.constant 0 : i32
      %dma_start3A_17 = tpu.memref_slice %arg5[%mul3A_2, %dma_start3A_16] : memref<10240x128xf32, #tpu.memory_space<hbm>> -> memref<640x128xf32, #tpu.memory_space<hbm>>
      tpu.enqueue_dma source(%dma_start3A_17 : memref<640x128xf32, #tpu.memory_space<hbm>>) target(%dma_start3A_15 : memref<640x128xf32, #tpu.memory_space<vmem_shared>>) target_semaphore(%run_scoped3A : memref<!tpu.dma_semaphore, #tpu.memory_space<semaphore_mem>>)
      %dma_wait3A = arith.constant 0 : i32
      %dma_wait3A_18 = tpu.memref_slice %arg10[%mul3A_4, %dma_wait3A] : memref<10240x128xf32, #tpu.memory_space<vmem_shared>> -> memref<640x128xf32, #tpu.memory_space<vmem_shared>>
      %dma_wait3A_19 = arith.constant 0 : i32
      %dma_wait3A_20 = tpu.memref_slice %arg5[%mul3A_2, %dma_wait3A_19] : memref<10240x128xf32, #tpu.memory_space<hbm>> -> memref<640x128xf32, #tpu.memory_space<hbm>>
      tpu.wait_dma2 semaphore(%run_scoped3A : memref<!tpu.dma_semaphore, #tpu.memory_space<semaphore_mem>>) src(%dma_wait3A_20 : memref<640x128xf32, #tpu.memory_space<hbm>>) dst(%dma_wait3A_18 : memref<640x128xf32, #tpu.memory_space<vmem_shared>>)
      tpu.yield
    }) : () -> ()
    "tpu.region"() ({
      %run_scoped3A = tpu.sem_alloc : memref<!tpu.dma_semaphore, #tpu.memory_space<semaphore_mem>>
      %dma_start3A = arith.constant 0 : i32
      %dma_start3A_15 = arith.constant 0 : i32
      %dma_start3A_16 = tpu.memref_slice %arg2[%add3A, %dma_start3A, %dma_start3A_15] : memref<32x125x80xi32, #tpu.memory_space<hbm>> -> memref<1x125x80xi32, #tpu.memory_space<hbm>>
      %dma_start3A_17 = tpu.memref_squeeze %dma_start3A_16 : memref<1x125x80xi32, #tpu.memory_space<hbm>> -> memref<125x80xi32, #tpu.memory_space<hbm>>
      %dma_start3A_18 = arith.constant 0 : i32
      %dma_start3A_19 = arith.constant 0 : i32
      %dma_start3A_20 = tpu.memref_slice %arg2[%add3A, %dma_start3A_18, %dma_start3A_19] : memref<32x125x80xi32, #tpu.memory_space<hbm>> -> memref<1x125x80xi32, #tpu.memory_space<hbm>>
      %dma_start3A_21 = tpu.memref_squeeze %dma_start3A_20 : memref<1x125x80xi32, #tpu.memory_space<hbm>> -> memref<125x80xi32, #tpu.memory_space<hbm>>
      tpu.enqueue_dma source(%dma_start3A_21 : memref<125x80xi32, #tpu.memory_space<hbm>>) target(%arg7 : memref<125x80xi32, #tpu.memory_space<vmem>>) target_semaphore(%run_scoped3A : memref<!tpu.dma_semaphore, #tpu.memory_space<semaphore_mem>>)
      %dma_wait3A = arith.constant 0 : i32
      %dma_wait3A_22 = arith.constant 0 : i32
      %dma_wait3A_23 = tpu.memref_slice %arg2[%add3A, %dma_wait3A, %dma_wait3A_22] : memref<32x125x80xi32, #tpu.memory_space<hbm>> -> memref<1x125x80xi32, #tpu.memory_space<hbm>>
      %dma_wait3A_24 = tpu.memref_squeeze %dma_wait3A_23 : memref<1x125x80xi32, #tpu.memory_space<hbm>> -> memref<125x80xi32, #tpu.memory_space<hbm>>
      %dma_wait3A_25 = arith.constant 0 : i32
      %dma_wait3A_26 = arith.constant 0 : i32
      %dma_wait3A_27 = tpu.memref_slice %arg2[%add3A, %dma_wait3A_25, %dma_wait3A_26] : memref<32x125x80xi32, #tpu.memory_space<hbm>> -> memref<1x125x80xi32, #tpu.memory_space<hbm>>
      %dma_wait3A_28 = tpu.memref_squeeze %dma_wait3A_27 : memref<1x125x80xi32, #tpu.memory_space<hbm>> -> memref<125x80xi32, #tpu.memory_space<hbm>>
      tpu.wait_dma2 semaphore(%run_scoped3A : memref<!tpu.dma_semaphore, #tpu.memory_space<semaphore_mem>>) src(%dma_wait3A_28 : memref<125x80xi32, #tpu.memory_space<hbm>>) dst(%arg7 : memref<125x80xi32, #tpu.memory_space<vmem>>)
      tpu.yield
    }) : () -> ()
    "tpu.region"() ({
      %run_scoped3A = tpu.sem_alloc : memref<!tpu.dma_semaphore, #tpu.memory_space<semaphore_mem>>
      %dma_start3A = arith.constant 0 : i32
      %dma_start3A_15 = arith.constant 0 : i32
      %dma_start3A_16 = tpu.memref_slice %arg3[%add3A, %dma_start3A, %dma_start3A_15] : memref<32x125x80xi32, #tpu.memory_space<hbm>> -> memref<1x125x80xi32, #tpu.memory_space<hbm>>
      %dma_start3A_17 = tpu.memref_squeeze %dma_start3A_16 : memref<1x125x80xi32, #tpu.memory_space<hbm>> -> memref<125x80xi32, #tpu.memory_space<hbm>>
      %dma_start3A_18 = arith.constant 0 : i32
      %dma_start3A_19 = arith.constant 0 : i32
      %dma_start3A_20 = tpu.memref_slice %arg3[%add3A, %dma_start3A_18, %dma_start3A_19] : memref<32x125x80xi32, #tpu.memory_space<hbm>> -> memref<1x125x80xi32, #tpu.memory_space<hbm>>
      %dma_start3A_21 = tpu.memref_squeeze %dma_start3A_20 : memref<1x125x80xi32, #tpu.memory_space<hbm>> -> memref<125x80xi32, #tpu.memory_space<hbm>>
      tpu.enqueue_dma source(%dma_start3A_21 : memref<125x80xi32, #tpu.memory_space<hbm>>) target(%arg8 : memref<125x80xi32, #tpu.memory_space<vmem>>) target_semaphore(%run_scoped3A : memref<!tpu.dma_semaphore, #tpu.memory_space<semaphore_mem>>)
      %dma_wait3A = arith.constant 0 : i32
      %dma_wait3A_22 = arith.constant 0 : i32
      %dma_wait3A_23 = tpu.memref_slice %arg3[%add3A, %dma_wait3A, %dma_wait3A_22] : memref<32x125x80xi32, #tpu.memory_space<hbm>> -> memref<1x125x80xi32, #tpu.memory_space<hbm>>
      %dma_wait3A_24 = tpu.memref_squeeze %dma_wait3A_23 : memref<1x125x80xi32, #tpu.memory_space<hbm>> -> memref<125x80xi32, #tpu.memory_space<hbm>>
      %dma_wait3A_25 = arith.constant 0 : i32
      %dma_wait3A_26 = arith.constant 0 : i32
      %dma_wait3A_27 = tpu.memref_slice %arg3[%add3A, %dma_wait3A_25, %dma_wait3A_26] : memref<32x125x80xi32, #tpu.memory_space<hbm>> -> memref<1x125x80xi32, #tpu.memory_space<hbm>>
      %dma_wait3A_28 = tpu.memref_squeeze %dma_wait3A_27 : memref<1x125x80xi32, #tpu.memory_space<hbm>> -> memref<125x80xi32, #tpu.memory_space<hbm>>
      tpu.wait_dma2 semaphore(%run_scoped3A : memref<!tpu.dma_semaphore, #tpu.memory_space<semaphore_mem>>) src(%dma_wait3A_28 : memref<125x80xi32, #tpu.memory_space<hbm>>) dst(%arg8 : memref<125x80xi32, #tpu.memory_space<vmem>>)
      tpu.yield
    }) : () -> ()
    %barrier3A = arith.constant 0 : index
    tpu.barrier barrier_id(%barrier3A)
    %scan3A = arith.constant 0 : i32
    %scan3A_5 = arith.constant 0 : i32
    %scan3A_6 = arith.constant 125 : i32
    %scan3A_7 = arith.addi %scan3A_5, %scan3A_6 : i32
    %scan3A_8 = arith.constant 1 : i32
    scf.for %scan3A_15 = %scan3A_5 to %scan3A_7 step %scan3A_8  : i32 {
      "tpu.region"() ({
        %run_scoped3A = tpu.sem_alloc : memref<!tpu.dma_semaphore, #tpu.memory_space<semaphore_mem>>
        %dma_start3A = arith.constant 0 : i32
        %dma_start3A_16 = tpu.memref_slice %arg7[%scan3A_15, %dma_start3A] : memref<125x80xi32, #tpu.memory_space<vmem>> -> memref<1x80xi32, #tpu.memory_space<vmem>>
        %dma_start3A_17 = tpu.memref_squeeze %dma_start3A_16 : memref<1x80xi32, #tpu.memory_space<vmem>> -> memref<80xi32, #tpu.memory_space<vmem>>
        %dma_start3A_18 = arith.constant 0 : i32
        %dma_start3A_19 = arith.constant 0 : i32
        %dma_start3A_20 = tpu.memref_slice %arg4[%dma_start3A_18, %dma_start3A_19] : memref<10000x128xf32, #tpu.memory_space<hbm>> -> memref<10000x128xf32, #tpu.memory_space<hbm>>
        tpu.enqueue_indirect_dma source(%dma_start3A_20 : memref<10000x128xf32, #tpu.memory_space<hbm>>) target(%arg9 : memref<80x128xf32, #tpu.memory_space<vmem>>) offsets(%dma_start3A_17 : memref<80xi32, #tpu.memory_space<vmem>>) semaphore(%run_scoped3A : memref<!tpu.dma_semaphore, #tpu.memory_space<semaphore_mem>>)
        %dma_wait3A = arith.constant 0 : i32
        %dma_wait3A_21 = tpu.memref_slice %arg7[%scan3A_15, %dma_wait3A] : memref<125x80xi32, #tpu.memory_space<vmem>> -> memref<1x80xi32, #tpu.memory_space<vmem>>
        %dma_wait3A_22 = tpu.memref_squeeze %dma_wait3A_21 : memref<1x80xi32, #tpu.memory_space<vmem>> -> memref<80xi32, #tpu.memory_space<vmem>>
        %dma_wait3A_23 = arith.constant 0 : i32
        %dma_wait3A_24 = arith.constant 0 : i32
        %dma_wait3A_25 = tpu.memref_slice %arg4[%dma_wait3A_23, %dma_wait3A_24] : memref<10000x128xf32, #tpu.memory_space<hbm>> -> memref<10000x128xf32, #tpu.memory_space<hbm>>
        tpu.wait_indirect_dma semaphore(%run_scoped3A : memref<!tpu.dma_semaphore, #tpu.memory_space<semaphore_mem>>) src(%dma_wait3A_25 : memref<10000x128xf32, #tpu.memory_space<hbm>>) dst(%arg9 : memref<80x128xf32, #tpu.memory_space<vmem>>)
        tpu.yield
      }) : () -> ()
      "tpu.region"() ({
        %run_scoped3A = tpu.sem_alloc : memref<!tpu.dma_semaphore, #tpu.memory_space<semaphore_mem>>
        %dma_start3A = arith.constant 0 : i32
        %dma_start3A_16 = tpu.memref_slice %arg8[%scan3A_15, %dma_start3A] : memref<125x80xi32, #tpu.memory_space<vmem>> -> memref<1x80xi32, #tpu.memory_space<vmem>>
        %dma_start3A_17 = tpu.memref_squeeze %dma_start3A_16 : memref<1x80xi32, #tpu.memory_space<vmem>> -> memref<80xi32, #tpu.memory_space<vmem>>
        %dma_start3A_18 = arith.constant 0 : i32
        %dma_start3A_19 = arith.constant 0 : i32
        %dma_start3A_20 = tpu.memref_slice %arg10[%dma_start3A_18, %dma_start3A_19] : memref<10240x128xf32, #tpu.memory_space<vmem_shared>> -> memref<10240x128xf32, #tpu.memory_space<vmem_shared>>
        tpu.enqueue_indirect_dma source(%arg9 : memref<80x128xf32, #tpu.memory_space<vmem>>) target(%dma_start3A_20 : memref<10240x128xf32, #tpu.memory_space<vmem_shared>>) offsets(%dma_start3A_17 : memref<80xi32, #tpu.memory_space<vmem>>) semaphore(%run_scoped3A : memref<!tpu.dma_semaphore, #tpu.memory_space<semaphore_mem>>) {add = true}
        %dma_wait3A = arith.constant 0 : i32
        %dma_wait3A_21 = tpu.memref_slice %arg8[%scan3A_15, %dma_wait3A] : memref<125x80xi32, #tpu.memory_space<vmem>> -> memref<1x80xi32, #tpu.memory_space<vmem>>
        %dma_wait3A_22 = tpu.memref_squeeze %dma_wait3A_21 : memref<1x80xi32, #tpu.memory_space<vmem>> -> memref<80xi32, #tpu.memory_space<vmem>>
        %dma_wait3A_23 = arith.constant 0 : i32
        %dma_wait3A_24 = arith.constant 0 : i32
        %dma_wait3A_25 = tpu.memref_slice %arg10[%dma_wait3A_23, %dma_wait3A_24] : memref<10240x128xf32, #tpu.memory_space<vmem_shared>> -> memref<10240x128xf32, #tpu.memory_space<vmem_shared>>
        tpu.wait_indirect_dma semaphore(%run_scoped3A : memref<!tpu.dma_semaphore, #tpu.memory_space<semaphore_mem>>) src(%arg9 : memref<80x128xf32, #tpu.memory_space<vmem>>) dst(%dma_wait3A_25 : memref<10240x128xf32, #tpu.memory_space<vmem_shared>>)
        tpu.yield
      }) : () -> ()
    }
    %scan3A_9 = arith.constant 125 : i32
    %barrier3A_10 = arith.constant 0 : index
    tpu.barrier barrier_id(%barrier3A_10)
    %mul3A_11 = arith.constant 640 : i32
    %mul3A_12 = arith.muli %arg1, %mul3A_11 : i32
    %mul3A_13 = arith.constant 640 : i32
    %mul3A_14 = arith.muli %arg1, %mul3A_13 : i32
    "tpu.region"() ({
      %run_scoped3A = tpu.sem_alloc : memref<!tpu.dma_semaphore, #tpu.memory_space<semaphore_mem>>
      %dma_start3A = arith.constant 0 : i32
      %dma_start3A_15 = tpu.memref_slice %arg6[%arg0, %mul3A_14, %dma_start3A] : memref<2x10240x128xf32, #tpu.memory_space<hbm>> -> memref<1x640x128xf32, #tpu.memory_space<hbm>>
      %dma_start3A_16 = tpu.memref_squeeze %dma_start3A_15 : memref<1x640x128xf32, #tpu.memory_space<hbm>> -> memref<640x128xf32, #tpu.memory_space<hbm>>
      %dma_start3A_17 = arith.constant 0 : i32
      %dma_start3A_18 = tpu.memref_slice %arg10[%mul3A_12, %dma_start3A_17] : memref<10240x128xf32, #tpu.memory_space<vmem_shared>> -> memref<640x128xf32, #tpu.memory_space<vmem_shared>>
      tpu.enqueue_dma source(%dma_start3A_18 : memref<640x128xf32, #tpu.memory_space<vmem_shared>>) target(%dma_start3A_16 : memref<640x128xf32, #tpu.memory_space<hbm>>) target_semaphore(%run_scoped3A : memref<!tpu.dma_semaphore, #tpu.memory_space<semaphore_mem>>)
      %dma_wait3A = arith.constant 0 : i32
      %dma_wait3A_19 = tpu.memref_slice %arg6[%arg0, %mul3A_14, %dma_wait3A] : memref<2x10240x128xf32, #tpu.memory_space<hbm>> -> memref<1x640x128xf32, #tpu.memory_space<hbm>>
      %dma_wait3A_20 = tpu.memref_squeeze %dma_wait3A_19 : memref<1x640x128xf32, #tpu.memory_space<hbm>> -> memref<640x128xf32, #tpu.memory_space<hbm>>
      %dma_wait3A_21 = arith.constant 0 : i32
      %dma_wait3A_22 = tpu.memref_slice %arg10[%mul3A_12, %dma_wait3A_21] : memref<10240x128xf32, #tpu.memory_space<vmem_shared>> -> memref<640x128xf32, #tpu.memory_space<vmem_shared>>
      tpu.wait_dma2 semaphore(%run_scoped3A : memref<!tpu.dma_semaphore, #tpu.memory_space<semaphore_mem>>) src(%dma_wait3A_22 : memref<640x128xf32, #tpu.memory_space<vmem_shared>>) dst(%dma_wait3A_20 : memref<640x128xf32, #tpu.memory_space<hbm>>)
      tpu.yield
    }) : () -> ()
    return
  }
}

#map = affine_map<(d0, d1) -> (0, 0, 0)>
#map1 = affine_map<(d0, d1) -> (0, 0)>
module attributes {stable_mosaic.version = 14 : i64} {
  func.func @deg_kernel(%arg0: i32, %arg1: i32, %arg2: memref<32x125x80xi32, #tpu.memory_space<hbm>>, %arg3: memref<80x128xf32, #tpu.memory_space<hbm>>, %arg4: memref<10240x128xf32, #tpu.memory_space<hbm>>, %arg5: memref<2x10240x128xf32, #tpu.memory_space<hbm>>, %arg6: memref<125x80xi32, #tpu.memory_space<vmem>>, %arg7: memref<80x128xf32, #tpu.memory_space<vmem>>, %arg8: memref<10240x128xf32, #tpu.memory_space<vmem_shared>>, %arg9: memref<5x!tpu.dma_semaphore, #tpu.memory_space<semaphore_mem>>) attributes {dimension_semantics = [#tpu.dimension_semantics<core_parallel>, #tpu.dimension_semantics<subcore_parallel>], iteration_bounds = array<i64: 2, 16>, scalar_prefetch = 0 : i64, scratch_operands = 4 : i64, tpu.core_type = #tpu.core_type<sc_vector_subcore>, window_params = [{transform_indices = #map}, {transform_indices = #map1}, {transform_indices = #map1}, {transform_indices = #map}]} {
    %mul3A = arith.constant 2 : i32
    %mul3A_0 = arith.muli %arg1, %mul3A : i32
    %add3A = arith.addi %mul3A_0, %arg0 : i32
    %mul3A_1 = arith.constant 640 : i32
    %mul3A_2 = arith.muli %arg1, %mul3A_1 : i32
    %mul3A_3 = arith.constant 640 : i32
    %mul3A_4 = arith.muli %arg1, %mul3A_3 : i32
    "tpu.region"() ({
      %run_scoped3A = tpu.sem_alloc : memref<!tpu.dma_semaphore, #tpu.memory_space<semaphore_mem>>
      %dma_start3A_108 = arith.constant 0 : i32
      %dma_start3A_109 = tpu.memref_slice %arg8[%mul3A_4, %dma_start3A_108] : memref<10240x128xf32, #tpu.memory_space<vmem_shared>> -> memref<640x128xf32, #tpu.memory_space<vmem_shared>>
      %dma_start3A_110 = arith.constant 0 : i32
      %dma_start3A_111 = tpu.memref_slice %arg4[%mul3A_2, %dma_start3A_110] : memref<10240x128xf32, #tpu.memory_space<hbm>> -> memref<640x128xf32, #tpu.memory_space<hbm>>
      tpu.enqueue_dma source(%dma_start3A_111 : memref<640x128xf32, #tpu.memory_space<hbm>>) target(%dma_start3A_109 : memref<640x128xf32, #tpu.memory_space<vmem_shared>>) target_semaphore(%run_scoped3A : memref<!tpu.dma_semaphore, #tpu.memory_space<semaphore_mem>>)
      %dma_wait3A_112 = arith.constant 0 : i32
      %dma_wait3A_113 = tpu.memref_slice %arg8[%mul3A_4, %dma_wait3A_112] : memref<10240x128xf32, #tpu.memory_space<vmem_shared>> -> memref<640x128xf32, #tpu.memory_space<vmem_shared>>
      %dma_wait3A_114 = arith.constant 0 : i32
      %dma_wait3A_115 = tpu.memref_slice %arg4[%mul3A_2, %dma_wait3A_114] : memref<10240x128xf32, #tpu.memory_space<hbm>> -> memref<640x128xf32, #tpu.memory_space<hbm>>
      tpu.wait_dma2 semaphore(%run_scoped3A : memref<!tpu.dma_semaphore, #tpu.memory_space<semaphore_mem>>) src(%dma_wait3A_115 : memref<640x128xf32, #tpu.memory_space<hbm>>) dst(%dma_wait3A_113 : memref<640x128xf32, #tpu.memory_space<vmem_shared>>)
      tpu.yield
    }) : () -> ()
    "tpu.region"() ({
      %run_scoped3A = tpu.sem_alloc : memref<!tpu.dma_semaphore, #tpu.memory_space<semaphore_mem>>
      %dma_start3A_108 = arith.constant 0 : i32
      %dma_start3A_109 = arith.constant 0 : i32
      %dma_start3A_110 = tpu.memref_slice %arg2[%add3A, %dma_start3A_108, %dma_start3A_109] : memref<32x125x80xi32, #tpu.memory_space<hbm>> -> memref<1x125x80xi32, #tpu.memory_space<hbm>>
      %dma_start3A_111 = tpu.memref_squeeze %dma_start3A_110 : memref<1x125x80xi32, #tpu.memory_space<hbm>> -> memref<125x80xi32, #tpu.memory_space<hbm>>
      %dma_start3A_112 = arith.constant 0 : i32
      %dma_start3A_113 = arith.constant 0 : i32
      %dma_start3A_114 = tpu.memref_slice %arg2[%add3A, %dma_start3A_112, %dma_start3A_113] : memref<32x125x80xi32, #tpu.memory_space<hbm>> -> memref<1x125x80xi32, #tpu.memory_space<hbm>>
      %dma_start3A_115 = tpu.memref_squeeze %dma_start3A_114 : memref<1x125x80xi32, #tpu.memory_space<hbm>> -> memref<125x80xi32, #tpu.memory_space<hbm>>
      tpu.enqueue_dma source(%dma_start3A_115 : memref<125x80xi32, #tpu.memory_space<hbm>>) target(%arg6 : memref<125x80xi32, #tpu.memory_space<vmem>>) target_semaphore(%run_scoped3A : memref<!tpu.dma_semaphore, #tpu.memory_space<semaphore_mem>>)
      %dma_wait3A_116 = arith.constant 0 : i32
      %dma_wait3A_117 = arith.constant 0 : i32
      %dma_wait3A_118 = tpu.memref_slice %arg2[%add3A, %dma_wait3A_116, %dma_wait3A_117] : memref<32x125x80xi32, #tpu.memory_space<hbm>> -> memref<1x125x80xi32, #tpu.memory_space<hbm>>
      %dma_wait3A_119 = tpu.memref_squeeze %dma_wait3A_118 : memref<1x125x80xi32, #tpu.memory_space<hbm>> -> memref<125x80xi32, #tpu.memory_space<hbm>>
      %dma_wait3A_120 = arith.constant 0 : i32
      %dma_wait3A_121 = arith.constant 0 : i32
      %dma_wait3A_122 = tpu.memref_slice %arg2[%add3A, %dma_wait3A_120, %dma_wait3A_121] : memref<32x125x80xi32, #tpu.memory_space<hbm>> -> memref<1x125x80xi32, #tpu.memory_space<hbm>>
      %dma_wait3A_123 = tpu.memref_squeeze %dma_wait3A_122 : memref<1x125x80xi32, #tpu.memory_space<hbm>> -> memref<125x80xi32, #tpu.memory_space<hbm>>
      tpu.wait_dma2 semaphore(%run_scoped3A : memref<!tpu.dma_semaphore, #tpu.memory_space<semaphore_mem>>) src(%dma_wait3A_123 : memref<125x80xi32, #tpu.memory_space<hbm>>) dst(%arg6 : memref<125x80xi32, #tpu.memory_space<vmem>>)
      tpu.yield
    }) : () -> ()
    "tpu.region"() ({
      %run_scoped3A = tpu.sem_alloc : memref<!tpu.dma_semaphore, #tpu.memory_space<semaphore_mem>>
      tpu.enqueue_dma source(%arg3 : memref<80x128xf32, #tpu.memory_space<hbm>>) target(%arg7 : memref<80x128xf32, #tpu.memory_space<vmem>>) target_semaphore(%run_scoped3A : memref<!tpu.dma_semaphore, #tpu.memory_space<semaphore_mem>>)
      tpu.wait_dma2 semaphore(%run_scoped3A : memref<!tpu.dma_semaphore, #tpu.memory_space<semaphore_mem>>) src(%arg3 : memref<80x128xf32, #tpu.memory_space<hbm>>) dst(%arg7 : memref<80x128xf32, #tpu.memory_space<vmem>>)
      tpu.yield
    }) : () -> ()
    %barrier3A = arith.constant 0 : index
    tpu.barrier barrier_id(%barrier3A)
    %dma_start3A = arith.constant 0 : i32
    %dma_start3A_5 = arith.constant 0 : i32
    %dma_start3A_6 = arith.constant 0 : i32
    %dma_start3A_7 = tpu.memref_slice %arg6[%dma_start3A, %dma_start3A_6] : memref<125x80xi32, #tpu.memory_space<vmem>> -> memref<1x80xi32, #tpu.memory_space<vmem>>
    %dma_start3A_8 = tpu.memref_squeeze %dma_start3A_7 : memref<1x80xi32, #tpu.memory_space<vmem>> -> memref<80xi32, #tpu.memory_space<vmem>>
    %dma_start3A_9 = arith.constant 0 : i32
    %dma_start3A_10 = arith.constant 0 : i32
    %dma_start3A_11 = tpu.memref_slice %arg8[%dma_start3A_9, %dma_start3A_10] : memref<10240x128xf32, #tpu.memory_space<vmem_shared>> -> memref<10240x128xf32, #tpu.memory_space<vmem_shared>>
    %dma_start3A_12 = tpu.memref_slice %arg9[%dma_start3A_5] : memref<5x!tpu.dma_semaphore, #tpu.memory_space<semaphore_mem>> -> memref<1x!tpu.dma_semaphore, #tpu.memory_space<semaphore_mem>>
    %dma_start3A_13 = tpu.memref_squeeze %dma_start3A_12 : memref<1x!tpu.dma_semaphore, #tpu.memory_space<semaphore_mem>> -> memref<!tpu.dma_semaphore, #tpu.memory_space<semaphore_mem>>
    tpu.enqueue_indirect_dma source(%arg7 : memref<80x128xf32, #tpu.memory_space<vmem>>) target(%dma_start3A_11 : memref<10240x128xf32, #tpu.memory_space<vmem_shared>>) offsets(%dma_start3A_8 : memref<80xi32, #tpu.memory_space<vmem>>) semaphore(%dma_start3A_13 : memref<!tpu.dma_semaphore, #tpu.memory_space<semaphore_mem>>) {add = true}
    %dma_start3A_14 = arith.constant 1 : i32
    %dma_start3A_15 = arith.constant 1 : i32
    %dma_start3A_16 = arith.constant 0 : i32
    %dma_start3A_17 = tpu.memref_slice %arg6[%dma_start3A_14, %dma_start3A_16] : memref<125x80xi32, #tpu.memory_space<vmem>> -> memref<1x80xi32, #tpu.memory_space<vmem>>
    %dma_start3A_18 = tpu.memref_squeeze %dma_start3A_17 : memref<1x80xi32, #tpu.memory_space<vmem>> -> memref<80xi32, #tpu.memory_space<vmem>>
    %dma_start3A_19 = arith.constant 0 : i32
    %dma_start3A_20 = arith.constant 0 : i32
    %dma_start3A_21 = tpu.memref_slice %arg8[%dma_start3A_19, %dma_start3A_20] : memref<10240x128xf32, #tpu.memory_space<vmem_shared>> -> memref<10240x128xf32, #tpu.memory_space<vmem_shared>>
    %dma_start3A_22 = tpu.memref_slice %arg9[%dma_start3A_15] : memref<5x!tpu.dma_semaphore, #tpu.memory_space<semaphore_mem>> -> memref<1x!tpu.dma_semaphore, #tpu.memory_space<semaphore_mem>>
    %dma_start3A_23 = tpu.memref_squeeze %dma_start3A_22 : memref<1x!tpu.dma_semaphore, #tpu.memory_space<semaphore_mem>> -> memref<!tpu.dma_semaphore, #tpu.memory_space<semaphore_mem>>
    tpu.enqueue_indirect_dma source(%arg7 : memref<80x128xf32, #tpu.memory_space<vmem>>) target(%dma_start3A_21 : memref<10240x128xf32, #tpu.memory_space<vmem_shared>>) offsets(%dma_start3A_18 : memref<80xi32, #tpu.memory_space<vmem>>) semaphore(%dma_start3A_23 : memref<!tpu.dma_semaphore, #tpu.memory_space<semaphore_mem>>) {add = true}
    %dma_start3A_24 = arith.constant 2 : i32
    %dma_start3A_25 = arith.constant 2 : i32
    %dma_start3A_26 = arith.constant 0 : i32
    %dma_start3A_27 = tpu.memref_slice %arg6[%dma_start3A_24, %dma_start3A_26] : memref<125x80xi32, #tpu.memory_space<vmem>> -> memref<1x80xi32, #tpu.memory_space<vmem>>
    %dma_start3A_28 = tpu.memref_squeeze %dma_start3A_27 : memref<1x80xi32, #tpu.memory_space<vmem>> -> memref<80xi32, #tpu.memory_space<vmem>>
    %dma_start3A_29 = arith.constant 0 : i32
    %dma_start3A_30 = arith.constant 0 : i32
    %dma_start3A_31 = tpu.memref_slice %arg8[%dma_start3A_29, %dma_start3A_30] : memref<10240x128xf32, #tpu.memory_space<vmem_shared>> -> memref<10240x128xf32, #tpu.memory_space<vmem_shared>>
    %dma_start3A_32 = tpu.memref_slice %arg9[%dma_start3A_25] : memref<5x!tpu.dma_semaphore, #tpu.memory_space<semaphore_mem>> -> memref<1x!tpu.dma_semaphore, #tpu.memory_space<semaphore_mem>>
    %dma_start3A_33 = tpu.memref_squeeze %dma_start3A_32 : memref<1x!tpu.dma_semaphore, #tpu.memory_space<semaphore_mem>> -> memref<!tpu.dma_semaphore, #tpu.memory_space<semaphore_mem>>
    tpu.enqueue_indirect_dma source(%arg7 : memref<80x128xf32, #tpu.memory_space<vmem>>) target(%dma_start3A_31 : memref<10240x128xf32, #tpu.memory_space<vmem_shared>>) offsets(%dma_start3A_28 : memref<80xi32, #tpu.memory_space<vmem>>) semaphore(%dma_start3A_33 : memref<!tpu.dma_semaphore, #tpu.memory_space<semaphore_mem>>) {add = true}
    %dma_start3A_34 = arith.constant 3 : i32
    %dma_start3A_35 = arith.constant 3 : i32
    %dma_start3A_36 = arith.constant 0 : i32
    %dma_start3A_37 = tpu.memref_slice %arg6[%dma_start3A_34, %dma_start3A_36] : memref<125x80xi32, #tpu.memory_space<vmem>> -> memref<1x80xi32, #tpu.memory_space<vmem>>
    %dma_start3A_38 = tpu.memref_squeeze %dma_start3A_37 : memref<1x80xi32, #tpu.memory_space<vmem>> -> memref<80xi32, #tpu.memory_space<vmem>>
    %dma_start3A_39 = arith.constant 0 : i32
    %dma_start3A_40 = arith.constant 0 : i32
    %dma_start3A_41 = tpu.memref_slice %arg8[%dma_start3A_39, %dma_start3A_40] : memref<10240x128xf32, #tpu.memory_space<vmem_shared>> -> memref<10240x128xf32, #tpu.memory_space<vmem_shared>>
    %dma_start3A_42 = tpu.memref_slice %arg9[%dma_start3A_35] : memref<5x!tpu.dma_semaphore, #tpu.memory_space<semaphore_mem>> -> memref<1x!tpu.dma_semaphore, #tpu.memory_space<semaphore_mem>>
    %dma_start3A_43 = tpu.memref_squeeze %dma_start3A_42 : memref<1x!tpu.dma_semaphore, #tpu.memory_space<semaphore_mem>> -> memref<!tpu.dma_semaphore, #tpu.memory_space<semaphore_mem>>
    tpu.enqueue_indirect_dma source(%arg7 : memref<80x128xf32, #tpu.memory_space<vmem>>) target(%dma_start3A_41 : memref<10240x128xf32, #tpu.memory_space<vmem_shared>>) offsets(%dma_start3A_38 : memref<80xi32, #tpu.memory_space<vmem>>) semaphore(%dma_start3A_43 : memref<!tpu.dma_semaphore, #tpu.memory_space<semaphore_mem>>) {add = true}
    %dma_start3A_44 = arith.constant 4 : i32
    %dma_start3A_45 = arith.constant 4 : i32
    %dma_start3A_46 = arith.constant 0 : i32
    %dma_start3A_47 = tpu.memref_slice %arg6[%dma_start3A_44, %dma_start3A_46] : memref<125x80xi32, #tpu.memory_space<vmem>> -> memref<1x80xi32, #tpu.memory_space<vmem>>
    %dma_start3A_48 = tpu.memref_squeeze %dma_start3A_47 : memref<1x80xi32, #tpu.memory_space<vmem>> -> memref<80xi32, #tpu.memory_space<vmem>>
    %dma_start3A_49 = arith.constant 0 : i32
    %dma_start3A_50 = arith.constant 0 : i32
    %dma_start3A_51 = tpu.memref_slice %arg8[%dma_start3A_49, %dma_start3A_50] : memref<10240x128xf32, #tpu.memory_space<vmem_shared>> -> memref<10240x128xf32, #tpu.memory_space<vmem_shared>>
    %dma_start3A_52 = tpu.memref_slice %arg9[%dma_start3A_45] : memref<5x!tpu.dma_semaphore, #tpu.memory_space<semaphore_mem>> -> memref<1x!tpu.dma_semaphore, #tpu.memory_space<semaphore_mem>>
    %dma_start3A_53 = tpu.memref_squeeze %dma_start3A_52 : memref<1x!tpu.dma_semaphore, #tpu.memory_space<semaphore_mem>> -> memref<!tpu.dma_semaphore, #tpu.memory_space<semaphore_mem>>
    tpu.enqueue_indirect_dma source(%arg7 : memref<80x128xf32, #tpu.memory_space<vmem>>) target(%dma_start3A_51 : memref<10240x128xf32, #tpu.memory_space<vmem_shared>>) offsets(%dma_start3A_48 : memref<80xi32, #tpu.memory_space<vmem>>) semaphore(%dma_start3A_53 : memref<!tpu.dma_semaphore, #tpu.memory_space<semaphore_mem>>) {add = true}
    %scan3A = arith.constant 0 : i32
    %scan3A_54 = arith.constant 0 : i32
    %scan3A_55 = arith.constant 24 : i32
    %scan3A_56 = arith.addi %scan3A_54, %scan3A_55 : i32
    %scan3A_57 = arith.constant 1 : i32
    scf.for %scan3A_108 = %scan3A_54 to %scan3A_56 step %scan3A_57  : i32 {
      %add3A_109 = arith.constant 1 : i32
      %add3A_110 = arith.addi %scan3A_108, %add3A_109 : i32
      %mul3A_111 = arith.constant 5 : i32
      %mul3A_112 = arith.muli %mul3A_111, %add3A_110 : i32
      %dma_wait3A_113 = arith.constant 0 : i32
      %dma_wait3A_114 = arith.constant 0 : i32
      %dma_wait3A_115 = arith.constant 0 : i32
      %dma_wait3A_116 = tpu.memref_slice %arg4[%dma_wait3A_114, %dma_wait3A_115] : memref<10240x128xf32, #tpu.memory_space<hbm>> -> memref<80x128xf32, #tpu.memory_space<hbm>>
      %dma_wait3A_117 = tpu.memref_slice %arg9[%dma_wait3A_113] : memref<5x!tpu.dma_semaphore, #tpu.memory_space<semaphore_mem>> -> memref<1x!tpu.dma_semaphore, #tpu.memory_space<semaphore_mem>>
      %dma_wait3A_118 = tpu.memref_squeeze %dma_wait3A_117 : memref<1x!tpu.dma_semaphore, #tpu.memory_space<semaphore_mem>> -> memref<!tpu.dma_semaphore, #tpu.memory_space<semaphore_mem>>
      %dma_wait3A_119 = arith.constant 0 : i32
      %dma_wait3A_120 = arith.constant 0 : i32
      %dma_wait3A_121 = tpu.memref_slice %arg4[%dma_wait3A_119, %dma_wait3A_120] : memref<10240x128xf32, #tpu.memory_space<hbm>> -> memref<80x128xf32, #tpu.memory_space<hbm>>
      tpu.wait_dma2 semaphore(%dma_wait3A_118 : memref<!tpu.dma_semaphore, #tpu.memory_space<semaphore_mem>>) src(%dma_wait3A_121 : memref<80x128xf32, #tpu.memory_space<hbm>>) dst(%arg7 : memref<80x128xf32, #tpu.memory_space<vmem>>)
      %add3A_122 = arith.constant 0 : i32
      %add3A_123 = arith.addi %mul3A_112, %add3A_122 : i32
      %dma_start3A_124 = arith.constant 0 : i32
      %dma_start3A_125 = arith.constant 0 : i32
      %dma_start3A_126 = tpu.memref_slice %arg6[%add3A_123, %dma_start3A_125] : memref<125x80xi32, #tpu.memory_space<vmem>> -> memref<1x80xi32, #tpu.memory_space<vmem>>
      %dma_start3A_127 = tpu.memref_squeeze %dma_start3A_126 : memref<1x80xi32, #tpu.memory_space<vmem>> -> memref<80xi32, #tpu.memory_space<vmem>>
      %dma_start3A_128 = arith.constant 0 : i32
      %dma_start3A_129 = arith.constant 0 : i32
      %dma_start3A_130 = tpu.memref_slice %arg8[%dma_start3A_128, %dma_start3A_129] : memref<10240x128xf32, #tpu.memory_space<vmem_shared>> -> memref<10240x128xf32, #tpu.memory_space<vmem_shared>>
      %dma_start3A_131 = tpu.memref_slice %arg9[%dma_start3A_124] : memref<5x!tpu.dma_semaphore, #tpu.memory_space<semaphore_mem>> -> memref<1x!tpu.dma_semaphore, #tpu.memory_space<semaphore_mem>>
      %dma_start3A_132 = tpu.memref_squeeze %dma_start3A_131 : memref<1x!tpu.dma_semaphore, #tpu.memory_space<semaphore_mem>> -> memref<!tpu.dma_semaphore, #tpu.memory_space<semaphore_mem>>
      tpu.enqueue_indirect_dma source(%arg7 : memref<80x128xf32, #tpu.memory_space<vmem>>) target(%dma_start3A_130 : memref<10240x128xf32, #tpu.memory_space<vmem_shared>>) offsets(%dma_start3A_127 : memref<80xi32, #tpu.memory_space<vmem>>) semaphore(%dma_start3A_132 : memref<!tpu.dma_semaphore, #tpu.memory_space<semaphore_mem>>) {add = true}
      %dma_wait3A_133 = arith.constant 1 : i32
      %dma_wait3A_134 = arith.constant 0 : i32
      %dma_wait3A_135 = arith.constant 0 : i32
      %dma_wait3A_136 = tpu.memref_slice %arg4[%dma_wait3A_134, %dma_wait3A_135] : memref<10240x128xf32, #tpu.memory_space<hbm>> -> memref<80x128xf32, #tpu.memory_space<hbm>>
      %dma_wait3A_137 = tpu.memref_slice %arg9[%dma_wait3A_133] : memref<5x!tpu.dma_semaphore, #tpu.memory_space<semaphore_mem>> -> memref<1x!tpu.dma_semaphore, #tpu.memory_space<semaphore_mem>>
      %dma_wait3A_138 = tpu.memref_squeeze %dma_wait3A_137 : memref<1x!tpu.dma_semaphore, #tpu.memory_space<semaphore_mem>> -> memref<!tpu.dma_semaphore, #tpu.memory_space<semaphore_mem>>
      %dma_wait3A_139 = arith.constant 0 : i32
      %dma_wait3A_140 = arith.constant 0 : i32
      %dma_wait3A_141 = tpu.memref_slice %arg4[%dma_wait3A_139, %dma_wait3A_140] : memref<10240x128xf32, #tpu.memory_space<hbm>> -> memref<80x128xf32, #tpu.memory_space<hbm>>
      tpu.wait_dma2 semaphore(%dma_wait3A_138 : memref<!tpu.dma_semaphore, #tpu.memory_space<semaphore_mem>>) src(%dma_wait3A_141 : memref<80x128xf32, #tpu.memory_space<hbm>>) dst(%arg7 : memref<80x128xf32, #tpu.memory_space<vmem>>)
      %add3A_142 = arith.constant 1 : i32
      %add3A_143 = arith.addi %mul3A_112, %add3A_142 : i32
      %dma_start3A_144 = arith.constant 1 : i32
      %dma_start3A_145 = arith.constant 0 : i32
      %dma_start3A_146 = tpu.memref_slice %arg6[%add3A_143, %dma_start3A_145] : memref<125x80xi32, #tpu.memory_space<vmem>> -> memref<1x80xi32, #tpu.memory_space<vmem>>
      %dma_start3A_147 = tpu.memref_squeeze %dma_start3A_146 : memref<1x80xi32, #tpu.memory_space<vmem>> -> memref<80xi32, #tpu.memory_space<vmem>>
      %dma_start3A_148 = arith.constant 0 : i32
      %dma_start3A_149 = arith.constant 0 : i32
      %dma_start3A_150 = tpu.memref_slice %arg8[%dma_start3A_148, %dma_start3A_149] : memref<10240x128xf32, #tpu.memory_space<vmem_shared>> -> memref<10240x128xf32, #tpu.memory_space<vmem_shared>>
      %dma_start3A_151 = tpu.memref_slice %arg9[%dma_start3A_144] : memref<5x!tpu.dma_semaphore, #tpu.memory_space<semaphore_mem>> -> memref<1x!tpu.dma_semaphore, #tpu.memory_space<semaphore_mem>>
      %dma_start3A_152 = tpu.memref_squeeze %dma_start3A_151 : memref<1x!tpu.dma_semaphore, #tpu.memory_space<semaphore_mem>> -> memref<!tpu.dma_semaphore, #tpu.memory_space<semaphore_mem>>
      tpu.enqueue_indirect_dma source(%arg7 : memref<80x128xf32, #tpu.memory_space<vmem>>) target(%dma_start3A_150 : memref<10240x128xf32, #tpu.memory_space<vmem_shared>>) offsets(%dma_start3A_147 : memref<80xi32, #tpu.memory_space<vmem>>) semaphore(%dma_start3A_152 : memref<!tpu.dma_semaphore, #tpu.memory_space<semaphore_mem>>) {add = true}
      %dma_wait3A_153 = arith.constant 2 : i32
      %dma_wait3A_154 = arith.constant 0 : i32
      %dma_wait3A_155 = arith.constant 0 : i32
      %dma_wait3A_156 = tpu.memref_slice %arg4[%dma_wait3A_154, %dma_wait3A_155] : memref<10240x128xf32, #tpu.memory_space<hbm>> -> memref<80x128xf32, #tpu.memory_space<hbm>>
      %dma_wait3A_157 = tpu.memref_slice %arg9[%dma_wait3A_153] : memref<5x!tpu.dma_semaphore, #tpu.memory_space<semaphore_mem>> -> memref<1x!tpu.dma_semaphore, #tpu.memory_space<semaphore_mem>>
      %dma_wait3A_158 = tpu.memref_squeeze %dma_wait3A_157 : memref<1x!tpu.dma_semaphore, #tpu.memory_space<semaphore_mem>> -> memref<!tpu.dma_semaphore, #tpu.memory_space<semaphore_mem>>
      %dma_wait3A_159 = arith.constant 0 : i32
      %dma_wait3A_160 = arith.constant 0 : i32
      %dma_wait3A_161 = tpu.memref_slice %arg4[%dma_wait3A_159, %dma_wait3A_160] : memref<10240x128xf32, #tpu.memory_space<hbm>> -> memref<80x128xf32, #tpu.memory_space<hbm>>
      tpu.wait_dma2 semaphore(%dma_wait3A_158 : memref<!tpu.dma_semaphore, #tpu.memory_space<semaphore_mem>>) src(%dma_wait3A_161 : memref<80x128xf32, #tpu.memory_space<hbm>>) dst(%arg7 : memref<80x128xf32, #tpu.memory_space<vmem>>)
      %add3A_162 = arith.constant 2 : i32
      %add3A_163 = arith.addi %mul3A_112, %add3A_162 : i32
      %dma_start3A_164 = arith.constant 2 : i32
      %dma_start3A_165 = arith.constant 0 : i32
      %dma_start3A_166 = tpu.memref_slice %arg6[%add3A_163, %dma_start3A_165] : memref<125x80xi32, #tpu.memory_space<vmem>> -> memref<1x80xi32, #tpu.memory_space<vmem>>
      %dma_start3A_167 = tpu.memref_squeeze %dma_start3A_166 : memref<1x80xi32, #tpu.memory_space<vmem>> -> memref<80xi32, #tpu.memory_space<vmem>>
      %dma_start3A_168 = arith.constant 0 : i32
      %dma_start3A_169 = arith.constant 0 : i32
      %dma_start3A_170 = tpu.memref_slice %arg8[%dma_start3A_168, %dma_start3A_169] : memref<10240x128xf32, #tpu.memory_space<vmem_shared>> -> memref<10240x128xf32, #tpu.memory_space<vmem_shared>>
      %dma_start3A_171 = tpu.memref_slice %arg9[%dma_start3A_164] : memref<5x!tpu.dma_semaphore, #tpu.memory_space<semaphore_mem>> -> memref<1x!tpu.dma_semaphore, #tpu.memory_space<semaphore_mem>>
      %dma_start3A_172 = tpu.memref_squeeze %dma_start3A_171 : memref<1x!tpu.dma_semaphore, #tpu.memory_space<semaphore_mem>> -> memref<!tpu.dma_semaphore, #tpu.memory_space<semaphore_mem>>
      tpu.enqueue_indirect_dma source(%arg7 : memref<80x128xf32, #tpu.memory_space<vmem>>) target(%dma_start3A_170 : memref<10240x128xf32, #tpu.memory_space<vmem_shared>>) offsets(%dma_start3A_167 : memref<80xi32, #tpu.memory_space<vmem>>) semaphore(%dma_start3A_172 : memref<!tpu.dma_semaphore, #tpu.memory_space<semaphore_mem>>) {add = true}
      %dma_wait3A_173 = arith.constant 3 : i32
      %dma_wait3A_174 = arith.constant 0 : i32
      %dma_wait3A_175 = arith.constant 0 : i32
      %dma_wait3A_176 = tpu.memref_slice %arg4[%dma_wait3A_174, %dma_wait3A_175] : memref<10240x128xf32, #tpu.memory_space<hbm>> -> memref<80x128xf32, #tpu.memory_space<hbm>>
      %dma_wait3A_177 = tpu.memref_slice %arg9[%dma_wait3A_173] : memref<5x!tpu.dma_semaphore, #tpu.memory_space<semaphore_mem>> -> memref<1x!tpu.dma_semaphore, #tpu.memory_space<semaphore_mem>>
      %dma_wait3A_178 = tpu.memref_squeeze %dma_wait3A_177 : memref<1x!tpu.dma_semaphore, #tpu.memory_space<semaphore_mem>> -> memref<!tpu.dma_semaphore, #tpu.memory_space<semaphore_mem>>
      %dma_wait3A_179 = arith.constant 0 : i32
      %dma_wait3A_180 = arith.constant 0 : i32
      %dma_wait3A_181 = tpu.memref_slice %arg4[%dma_wait3A_179, %dma_wait3A_180] : memref<10240x128xf32, #tpu.memory_space<hbm>> -> memref<80x128xf32, #tpu.memory_space<hbm>>
      tpu.wait_dma2 semaphore(%dma_wait3A_178 : memref<!tpu.dma_semaphore, #tpu.memory_space<semaphore_mem>>) src(%dma_wait3A_181 : memref<80x128xf32, #tpu.memory_space<hbm>>) dst(%arg7 : memref<80x128xf32, #tpu.memory_space<vmem>>)
      %add3A_182 = arith.constant 3 : i32
      %add3A_183 = arith.addi %mul3A_112, %add3A_182 : i32
      %dma_start3A_184 = arith.constant 3 : i32
      %dma_start3A_185 = arith.constant 0 : i32
      %dma_start3A_186 = tpu.memref_slice %arg6[%add3A_183, %dma_start3A_185] : memref<125x80xi32, #tpu.memory_space<vmem>> -> memref<1x80xi32, #tpu.memory_space<vmem>>
      %dma_start3A_187 = tpu.memref_squeeze %dma_start3A_186 : memref<1x80xi32, #tpu.memory_space<vmem>> -> memref<80xi32, #tpu.memory_space<vmem>>
      %dma_start3A_188 = arith.constant 0 : i32
      %dma_start3A_189 = arith.constant 0 : i32
      %dma_start3A_190 = tpu.memref_slice %arg8[%dma_start3A_188, %dma_start3A_189] : memref<10240x128xf32, #tpu.memory_space<vmem_shared>> -> memref<10240x128xf32, #tpu.memory_space<vmem_shared>>
      %dma_start3A_191 = tpu.memref_slice %arg9[%dma_start3A_184] : memref<5x!tpu.dma_semaphore, #tpu.memory_space<semaphore_mem>> -> memref<1x!tpu.dma_semaphore, #tpu.memory_space<semaphore_mem>>
      %dma_start3A_192 = tpu.memref_squeeze %dma_start3A_191 : memref<1x!tpu.dma_semaphore, #tpu.memory_space<semaphore_mem>> -> memref<!tpu.dma_semaphore, #tpu.memory_space<semaphore_mem>>
      tpu.enqueue_indirect_dma source(%arg7 : memref<80x128xf32, #tpu.memory_space<vmem>>) target(%dma_start3A_190 : memref<10240x128xf32, #tpu.memory_space<vmem_shared>>) offsets(%dma_start3A_187 : memref<80xi32, #tpu.memory_space<vmem>>) semaphore(%dma_start3A_192 : memref<!tpu.dma_semaphore, #tpu.memory_space<semaphore_mem>>) {add = true}
      %dma_wait3A_193 = arith.constant 4 : i32
      %dma_wait3A_194 = arith.constant 0 : i32
      %dma_wait3A_195 = arith.constant 0 : i32
      %dma_wait3A_196 = tpu.memref_slice %arg4[%dma_wait3A_194, %dma_wait3A_195] : memref<10240x128xf32, #tpu.memory_space<hbm>> -> memref<80x128xf32, #tpu.memory_space<hbm>>
      %dma_wait3A_197 = tpu.memref_slice %arg9[%dma_wait3A_193] : memref<5x!tpu.dma_semaphore, #tpu.memory_space<semaphore_mem>> -> memref<1x!tpu.dma_semaphore, #tpu.memory_space<semaphore_mem>>
      %dma_wait3A_198 = tpu.memref_squeeze %dma_wait3A_197 : memref<1x!tpu.dma_semaphore, #tpu.memory_space<semaphore_mem>> -> memref<!tpu.dma_semaphore, #tpu.memory_space<semaphore_mem>>
      %dma_wait3A_199 = arith.constant 0 : i32
      %dma_wait3A_200 = arith.constant 0 : i32
      %dma_wait3A_201 = tpu.memref_slice %arg4[%dma_wait3A_199, %dma_wait3A_200] : memref<10240x128xf32, #tpu.memory_space<hbm>> -> memref<80x128xf32, #tpu.memory_space<hbm>>
      tpu.wait_dma2 semaphore(%dma_wait3A_198 : memref<!tpu.dma_semaphore, #tpu.memory_space<semaphore_mem>>) src(%dma_wait3A_201 : memref<80x128xf32, #tpu.memory_space<hbm>>) dst(%arg7 : memref<80x128xf32, #tpu.memory_space<vmem>>)
      %add3A_202 = arith.constant 4 : i32
      %add3A_203 = arith.addi %mul3A_112, %add3A_202 : i32
      %dma_start3A_204 = arith.constant 4 : i32
      %dma_start3A_205 = arith.constant 0 : i32
      %dma_start3A_206 = tpu.memref_slice %arg6[%add3A_203, %dma_start3A_205] : memref<125x80xi32, #tpu.memory_space<vmem>> -> memref<1x80xi32, #tpu.memory_space<vmem>>
      %dma_start3A_207 = tpu.memref_squeeze %dma_start3A_206 : memref<1x80xi32, #tpu.memory_space<vmem>> -> memref<80xi32, #tpu.memory_space<vmem>>
      %dma_start3A_208 = arith.constant 0 : i32
      %dma_start3A_209 = arith.constant 0 : i32
      %dma_start3A_210 = tpu.memref_slice %arg8[%dma_start3A_208, %dma_start3A_209] : memref<10240x128xf32, #tpu.memory_space<vmem_shared>> -> memref<10240x128xf32, #tpu.memory_space<vmem_shared>>
      %dma_start3A_211 = tpu.memref_slice %arg9[%dma_start3A_204] : memref<5x!tpu.dma_semaphore, #tpu.memory_space<semaphore_mem>> -> memref<1x!tpu.dma_semaphore, #tpu.memory_space<semaphore_mem>>
      %dma_start3A_212 = tpu.memref_squeeze %dma_start3A_211 : memref<1x!tpu.dma_semaphore, #tpu.memory_space<semaphore_mem>> -> memref<!tpu.dma_semaphore, #tpu.memory_space<semaphore_mem>>
      tpu.enqueue_indirect_dma source(%arg7 : memref<80x128xf32, #tpu.memory_space<vmem>>) target(%dma_start3A_210 : memref<10240x128xf32, #tpu.memory_space<vmem_shared>>) offsets(%dma_start3A_207 : memref<80xi32, #tpu.memory_space<vmem>>) semaphore(%dma_start3A_212 : memref<!tpu.dma_semaphore, #tpu.memory_space<semaphore_mem>>) {add = true}
    }
    %scan3A_58 = arith.constant 24 : i32
    %dma_wait3A = arith.constant 0 : i32
    %dma_wait3A_59 = arith.constant 0 : i32
    %dma_wait3A_60 = arith.constant 0 : i32
    %dma_wait3A_61 = tpu.memref_slice %arg4[%dma_wait3A_59, %dma_wait3A_60] : memref<10240x128xf32, #tpu.memory_space<hbm>> -> memref<80x128xf32, #tpu.memory_space<hbm>>
    %dma_wait3A_62 = tpu.memref_slice %arg9[%dma_wait3A] : memref<5x!tpu.dma_semaphore, #tpu.memory_space<semaphore_mem>> -> memref<1x!tpu.dma_semaphore, #tpu.memory_space<semaphore_mem>>
    %dma_wait3A_63 = tpu.memref_squeeze %dma_wait3A_62 : memref<1x!tpu.dma_semaphore, #tpu.memory_space<semaphore_mem>> -> memref<!tpu.dma_semaphore, #tpu.memory_space<semaphore_mem>>
    %dma_wait3A_64 = arith.constant 0 : i32
    %dma_wait3A_65 = arith.constant 0 : i32
    %dma_wait3A_66 = tpu.memref_slice %arg4[%dma_wait3A_64, %dma_wait3A_65] : memref<10240x128xf32, #tpu.memory_space<hbm>> -> memref<80x128xf32, #tpu.memory_space<hbm>>
    tpu.wait_dma2 semaphore(%dma_wait3A_63 : memref<!tpu.dma_semaphore, #tpu.memory_space<semaphore_mem>>) src(%dma_wait3A_66 : memref<80x128xf32, #tpu.memory_space<hbm>>) dst(%arg7 : memref<80x128xf32, #tpu.memory_space<vmem>>)
    %dma_wait3A_67 = arith.constant 1 : i32
    %dma_wait3A_68 = arith.constant 0 : i32
    %dma_wait3A_69 = arith.constant 0 : i32
    %dma_wait3A_70 = tpu.memref_slice %arg4[%dma_wait3A_68, %dma_wait3A_69] : memref<10240x128xf32, #tpu.memory_space<hbm>> -> memref<80x128xf32, #tpu.memory_space<hbm>>
    %dma_wait3A_71 = tpu.memref_slice %arg9[%dma_wait3A_67] : memref<5x!tpu.dma_semaphore, #tpu.memory_space<semaphore_mem>> -> memref<1x!tpu.dma_semaphore, #tpu.memory_space<semaphore_mem>>
    %dma_wait3A_72 = tpu.memref_squeeze %dma_wait3A_71 : memref<1x!tpu.dma_semaphore, #tpu.memory_space<semaphore_mem>> -> memref<!tpu.dma_semaphore, #tpu.memory_space<semaphore_mem>>
    %dma_wait3A_73 = arith.constant 0 : i32
    %dma_wait3A_74 = arith.constant 0 : i32
    %dma_wait3A_75 = tpu.memref_slice %arg4[%dma_wait3A_73, %dma_wait3A_74] : memref<10240x128xf32, #tpu.memory_space<hbm>> -> memref<80x128xf32, #tpu.memory_space<hbm>>
    tpu.wait_dma2 semaphore(%dma_wait3A_72 : memref<!tpu.dma_semaphore, #tpu.memory_space<semaphore_mem>>) src(%dma_wait3A_75 : memref<80x128xf32, #tpu.memory_space<hbm>>) dst(%arg7 : memref<80x128xf32, #tpu.memory_space<vmem>>)
    %dma_wait3A_76 = arith.constant 2 : i32
    %dma_wait3A_77 = arith.constant 0 : i32
    %dma_wait3A_78 = arith.constant 0 : i32
    %dma_wait3A_79 = tpu.memref_slice %arg4[%dma_wait3A_77, %dma_wait3A_78] : memref<10240x128xf32, #tpu.memory_space<hbm>> -> memref<80x128xf32, #tpu.memory_space<hbm>>
    %dma_wait3A_80 = tpu.memref_slice %arg9[%dma_wait3A_76] : memref<5x!tpu.dma_semaphore, #tpu.memory_space<semaphore_mem>> -> memref<1x!tpu.dma_semaphore, #tpu.memory_space<semaphore_mem>>
    %dma_wait3A_81 = tpu.memref_squeeze %dma_wait3A_80 : memref<1x!tpu.dma_semaphore, #tpu.memory_space<semaphore_mem>> -> memref<!tpu.dma_semaphore, #tpu.memory_space<semaphore_mem>>
    %dma_wait3A_82 = arith.constant 0 : i32
    %dma_wait3A_83 = arith.constant 0 : i32
    %dma_wait3A_84 = tpu.memref_slice %arg4[%dma_wait3A_82, %dma_wait3A_83] : memref<10240x128xf32, #tpu.memory_space<hbm>> -> memref<80x128xf32, #tpu.memory_space<hbm>>
    tpu.wait_dma2 semaphore(%dma_wait3A_81 : memref<!tpu.dma_semaphore, #tpu.memory_space<semaphore_mem>>) src(%dma_wait3A_84 : memref<80x128xf32, #tpu.memory_space<hbm>>) dst(%arg7 : memref<80x128xf32, #tpu.memory_space<vmem>>)
    %dma_wait3A_85 = arith.constant 3 : i32
    %dma_wait3A_86 = arith.constant 0 : i32
    %dma_wait3A_87 = arith.constant 0 : i32
    %dma_wait3A_88 = tpu.memref_slice %arg4[%dma_wait3A_86, %dma_wait3A_87] : memref<10240x128xf32, #tpu.memory_space<hbm>> -> memref<80x128xf32, #tpu.memory_space<hbm>>
    %dma_wait3A_89 = tpu.memref_slice %arg9[%dma_wait3A_85] : memref<5x!tpu.dma_semaphore, #tpu.memory_space<semaphore_mem>> -> memref<1x!tpu.dma_semaphore, #tpu.memory_space<semaphore_mem>>
    %dma_wait3A_90 = tpu.memref_squeeze %dma_wait3A_89 : memref<1x!tpu.dma_semaphore, #tpu.memory_space<semaphore_mem>> -> memref<!tpu.dma_semaphore, #tpu.memory_space<semaphore_mem>>
    %dma_wait3A_91 = arith.constant 0 : i32
    %dma_wait3A_92 = arith.constant 0 : i32
    %dma_wait3A_93 = tpu.memref_slice %arg4[%dma_wait3A_91, %dma_wait3A_92] : memref<10240x128xf32, #tpu.memory_space<hbm>> -> memref<80x128xf32, #tpu.memory_space<hbm>>
    tpu.wait_dma2 semaphore(%dma_wait3A_90 : memref<!tpu.dma_semaphore, #tpu.memory_space<semaphore_mem>>) src(%dma_wait3A_93 : memref<80x128xf32, #tpu.memory_space<hbm>>) dst(%arg7 : memref<80x128xf32, #tpu.memory_space<vmem>>)
    %dma_wait3A_94 = arith.constant 4 : i32
    %dma_wait3A_95 = arith.constant 0 : i32
    %dma_wait3A_96 = arith.constant 0 : i32
    %dma_wait3A_97 = tpu.memref_slice %arg4[%dma_wait3A_95, %dma_wait3A_96] : memref<10240x128xf32, #tpu.memory_space<hbm>> -> memref<80x128xf32, #tpu.memory_space<hbm>>
    %dma_wait3A_98 = tpu.memref_slice %arg9[%dma_wait3A_94] : memref<5x!tpu.dma_semaphore, #tpu.memory_space<semaphore_mem>> -> memref<1x!tpu.dma_semaphore, #tpu.memory_space<semaphore_mem>>
    %dma_wait3A_99 = tpu.memref_squeeze %dma_wait3A_98 : memref<1x!tpu.dma_semaphore, #tpu.memory_space<semaphore_mem>> -> memref<!tpu.dma_semaphore, #tpu.memory_space<semaphore_mem>>
    %dma_wait3A_100 = arith.constant 0 : i32
    %dma_wait3A_101 = arith.constant 0 : i32
    %dma_wait3A_102 = tpu.memref_slice %arg4[%dma_wait3A_100, %dma_wait3A_101] : memref<10240x128xf32, #tpu.memory_space<hbm>> -> memref<80x128xf32, #tpu.memory_space<hbm>>
    tpu.wait_dma2 semaphore(%dma_wait3A_99 : memref<!tpu.dma_semaphore, #tpu.memory_space<semaphore_mem>>) src(%dma_wait3A_102 : memref<80x128xf32, #tpu.memory_space<hbm>>) dst(%arg7 : memref<80x128xf32, #tpu.memory_space<vmem>>)
    %barrier3A_103 = arith.constant 0 : index
    tpu.barrier barrier_id(%barrier3A_103)
    %mul3A_104 = arith.constant 640 : i32
    %mul3A_105 = arith.muli %arg1, %mul3A_104 : i32
    %mul3A_106 = arith.constant 640 : i32
    %mul3A_107 = arith.muli %arg1, %mul3A_106 : i32
    "tpu.region"() ({
      %run_scoped3A = tpu.sem_alloc : memref<!tpu.dma_semaphore, #tpu.memory_space<semaphore_mem>>
      %dma_start3A_108 = arith.constant 0 : i32
      %dma_start3A_109 = tpu.memref_slice %arg5[%arg0, %mul3A_107, %dma_start3A_108] : memref<2x10240x128xf32, #tpu.memory_space<hbm>> -> memref<1x640x128xf32, #tpu.memory_space<hbm>>
      %dma_start3A_110 = tpu.memref_squeeze %dma_start3A_109 : memref<1x640x128xf32, #tpu.memory_space<hbm>> -> memref<640x128xf32, #tpu.memory_space<hbm>>
      %dma_start3A_111 = arith.constant 0 : i32
      %dma_start3A_112 = tpu.memref_slice %arg8[%mul3A_105, %dma_start3A_111] : memref<10240x128xf32, #tpu.memory_space<vmem_shared>> -> memref<640x128xf32, #tpu.memory_space<vmem_shared>>
      tpu.enqueue_dma source(%dma_start3A_112 : memref<640x128xf32, #tpu.memory_space<vmem_shared>>) target(%dma_start3A_110 : memref<640x128xf32, #tpu.memory_space<hbm>>) target_semaphore(%run_scoped3A : memref<!tpu.dma_semaphore, #tpu.memory_space<semaphore_mem>>)
      %dma_wait3A_113 = arith.constant 0 : i32
      %dma_wait3A_114 = tpu.memref_slice %arg5[%arg0, %mul3A_107, %dma_wait3A_113] : memref<2x10240x128xf32, #tpu.memory_space<hbm>> -> memref<1x640x128xf32, #tpu.memory_space<hbm>>
      %dma_wait3A_115 = tpu.memref_squeeze %dma_wait3A_114 : memref<1x640x128xf32, #tpu.memory_space<hbm>> -> memref<640x128xf32, #tpu.memory_space<hbm>>
      %dma_wait3A_116 = arith.constant 0 : i32
      %dma_wait3A_117 = tpu.memref_slice %arg8[%mul3A_105, %dma_wait3A_116] : memref<10240x128xf32, #tpu.memory_space<vmem_shared>> -> memref<640x128xf32, #tpu.memory_space<vmem_shared>>
      tpu.wait_dma2 semaphore(%run_scoped3A : memref<!tpu.dma_semaphore, #tpu.memory_space<semaphore_mem>>) src(%dma_wait3A_117 : memref<640x128xf32, #tpu.memory_space<vmem_shared>>) dst(%dma_wait3A_115 : memref<640x128xf32, #tpu.memory_space<hbm>>)
      tpu.yield
    }) : () -> ()
    return
  }
}

#map = affine_map<(d0, d1) -> (0, 0, 0)>
#map1 = affine_map<(d0, d1) -> (0, 0)>
module attributes {stable_mosaic.version = 14 : i64} {
  func.func @mp_kernel(%arg0: i32, %arg1: i32, %arg2: memref<32x125x80xi32, #tpu.memory_space<hbm>>, %arg3: memref<32x125x80xi32, #tpu.memory_space<hbm>>, %arg4: memref<10000x128xf32, #tpu.memory_space<hbm>>, %arg5: memref<10240x128xf32, #tpu.memory_space<hbm>>, %arg6: memref<2x10240x128xf32, #tpu.memory_space<hbm>>, %arg7: memref<125x80xi32, #tpu.memory_space<vmem>>, %arg8: memref<125x80xi32, #tpu.memory_space<vmem>>, %arg9: memref<80x128xf32, #tpu.memory_space<vmem>>, %arg10: memref<10240x128xf32, #tpu.memory_space<vmem_shared>>) attributes {dimension_semantics = [#tpu.dimension_semantics<core_parallel>, #tpu.dimension_semantics<subcore_parallel>], iteration_bounds = array<i64: 2, 16>, scalar_prefetch = 0 : i64, scratch_operands = 4 : i64, tpu.core_type = #tpu.core_type<sc_vector_subcore>, window_params = [{transform_indices = #map}, {transform_indices = #map}, {transform_indices = #map1}, {transform_indices = #map1}, {transform_indices = #map}]} {
    %mul3A = arith.constant 2 : i32
    %mul3A_0 = arith.muli %arg1, %mul3A : i32
    %add3A = arith.addi %mul3A_0, %arg0 : i32
    %mul3A_1 = arith.constant 640 : i32
    %mul3A_2 = arith.muli %arg1, %mul3A_1 : i32
    %mul3A_3 = arith.constant 640 : i32
    %mul3A_4 = arith.muli %arg1, %mul3A_3 : i32
    "tpu.region"() ({
      %run_scoped3A = tpu.sem_alloc : memref<!tpu.dma_semaphore, #tpu.memory_space<semaphore_mem>>
      %dma_start3A = arith.constant 0 : i32
      %dma_start3A_15 = tpu.memref_slice %arg10[%mul3A_4, %dma_start3A] : memref<10240x128xf32, #tpu.memory_space<vmem_shared>> -> memref<640x128xf32, #tpu.memory_space<vmem_shared>>
      %dma_start3A_16 = arith.constant 0 : i32
      %dma_start3A_17 = tpu.memref_slice %arg5[%mul3A_2, %dma_start3A_16] : memref<10240x128xf32, #tpu.memory_space<hbm>> -> memref<640x128xf32, #tpu.memory_space<hbm>>
      tpu.enqueue_dma source(%dma_start3A_17 : memref<640x128xf32, #tpu.memory_space<hbm>>) target(%dma_start3A_15 : memref<640x128xf32, #tpu.memory_space<vmem_shared>>) target_semaphore(%run_scoped3A : memref<!tpu.dma_semaphore, #tpu.memory_space<semaphore_mem>>)
      %dma_wait3A = arith.constant 0 : i32
      %dma_wait3A_18 = tpu.memref_slice %arg10[%mul3A_4, %dma_wait3A] : memref<10240x128xf32, #tpu.memory_space<vmem_shared>> -> memref<640x128xf32, #tpu.memory_space<vmem_shared>>
      %dma_wait3A_19 = arith.constant 0 : i32
      %dma_wait3A_20 = tpu.memref_slice %arg5[%mul3A_2, %dma_wait3A_19] : memref<10240x128xf32, #tpu.memory_space<hbm>> -> memref<640x128xf32, #tpu.memory_space<hbm>>
      tpu.wait_dma2 semaphore(%run_scoped3A : memref<!tpu.dma_semaphore, #tpu.memory_space<semaphore_mem>>) src(%dma_wait3A_20 : memref<640x128xf32, #tpu.memory_space<hbm>>) dst(%dma_wait3A_18 : memref<640x128xf32, #tpu.memory_space<vmem_shared>>)
      tpu.yield
    }) : () -> ()
    "tpu.region"() ({
      %run_scoped3A = tpu.sem_alloc : memref<!tpu.dma_semaphore, #tpu.memory_space<semaphore_mem>>
      %dma_start3A = arith.constant 0 : i32
      %dma_start3A_15 = arith.constant 0 : i32
      %dma_start3A_16 = tpu.memref_slice %arg2[%add3A, %dma_start3A, %dma_start3A_15] : memref<32x125x80xi32, #tpu.memory_space<hbm>> -> memref<1x125x80xi32, #tpu.memory_space<hbm>>
      %dma_start3A_17 = tpu.memref_squeeze %dma_start3A_16 : memref<1x125x80xi32, #tpu.memory_space<hbm>> -> memref<125x80xi32, #tpu.memory_space<hbm>>
      %dma_start3A_18 = arith.constant 0 : i32
      %dma_start3A_19 = arith.constant 0 : i32
      %dma_start3A_20 = tpu.memref_slice %arg2[%add3A, %dma_start3A_18, %dma_start3A_19] : memref<32x125x80xi32, #tpu.memory_space<hbm>> -> memref<1x125x80xi32, #tpu.memory_space<hbm>>
      %dma_start3A_21 = tpu.memref_squeeze %dma_start3A_20 : memref<1x125x80xi32, #tpu.memory_space<hbm>> -> memref<125x80xi32, #tpu.memory_space<hbm>>
      tpu.enqueue_dma source(%dma_start3A_21 : memref<125x80xi32, #tpu.memory_space<hbm>>) target(%arg7 : memref<125x80xi32, #tpu.memory_space<vmem>>) target_semaphore(%run_scoped3A : memref<!tpu.dma_semaphore, #tpu.memory_space<semaphore_mem>>)
      %dma_wait3A = arith.constant 0 : i32
      %dma_wait3A_22 = arith.constant 0 : i32
      %dma_wait3A_23 = tpu.memref_slice %arg2[%add3A, %dma_wait3A, %dma_wait3A_22] : memref<32x125x80xi32, #tpu.memory_space<hbm>> -> memref<1x125x80xi32, #tpu.memory_space<hbm>>
      %dma_wait3A_24 = tpu.memref_squeeze %dma_wait3A_23 : memref<1x125x80xi32, #tpu.memory_space<hbm>> -> memref<125x80xi32, #tpu.memory_space<hbm>>
      %dma_wait3A_25 = arith.constant 0 : i32
      %dma_wait3A_26 = arith.constant 0 : i32
      %dma_wait3A_27 = tpu.memref_slice %arg2[%add3A, %dma_wait3A_25, %dma_wait3A_26] : memref<32x125x80xi32, #tpu.memory_space<hbm>> -> memref<1x125x80xi32, #tpu.memory_space<hbm>>
      %dma_wait3A_28 = tpu.memref_squeeze %dma_wait3A_27 : memref<1x125x80xi32, #tpu.memory_space<hbm>> -> memref<125x80xi32, #tpu.memory_space<hbm>>
      tpu.wait_dma2 semaphore(%run_scoped3A : memref<!tpu.dma_semaphore, #tpu.memory_space<semaphore_mem>>) src(%dma_wait3A_28 : memref<125x80xi32, #tpu.memory_space<hbm>>) dst(%arg7 : memref<125x80xi32, #tpu.memory_space<vmem>>)
      tpu.yield
    }) : () -> ()
    "tpu.region"() ({
      %run_scoped3A = tpu.sem_alloc : memref<!tpu.dma_semaphore, #tpu.memory_space<semaphore_mem>>
      %dma_start3A = arith.constant 0 : i32
      %dma_start3A_15 = arith.constant 0 : i32
      %dma_start3A_16 = tpu.memref_slice %arg3[%add3A, %dma_start3A, %dma_start3A_15] : memref<32x125x80xi32, #tpu.memory_space<hbm>> -> memref<1x125x80xi32, #tpu.memory_space<hbm>>
      %dma_start3A_17 = tpu.memref_squeeze %dma_start3A_16 : memref<1x125x80xi32, #tpu.memory_space<hbm>> -> memref<125x80xi32, #tpu.memory_space<hbm>>
      %dma_start3A_18 = arith.constant 0 : i32
      %dma_start3A_19 = arith.constant 0 : i32
      %dma_start3A_20 = tpu.memref_slice %arg3[%add3A, %dma_start3A_18, %dma_start3A_19] : memref<32x125x80xi32, #tpu.memory_space<hbm>> -> memref<1x125x80xi32, #tpu.memory_space<hbm>>
      %dma_start3A_21 = tpu.memref_squeeze %dma_start3A_20 : memref<1x125x80xi32, #tpu.memory_space<hbm>> -> memref<125x80xi32, #tpu.memory_space<hbm>>
      tpu.enqueue_dma source(%dma_start3A_21 : memref<125x80xi32, #tpu.memory_space<hbm>>) target(%arg8 : memref<125x80xi32, #tpu.memory_space<vmem>>) target_semaphore(%run_scoped3A : memref<!tpu.dma_semaphore, #tpu.memory_space<semaphore_mem>>)
      %dma_wait3A = arith.constant 0 : i32
      %dma_wait3A_22 = arith.constant 0 : i32
      %dma_wait3A_23 = tpu.memref_slice %arg3[%add3A, %dma_wait3A, %dma_wait3A_22] : memref<32x125x80xi32, #tpu.memory_space<hbm>> -> memref<1x125x80xi32, #tpu.memory_space<hbm>>
      %dma_wait3A_24 = tpu.memref_squeeze %dma_wait3A_23 : memref<1x125x80xi32, #tpu.memory_space<hbm>> -> memref<125x80xi32, #tpu.memory_space<hbm>>
      %dma_wait3A_25 = arith.constant 0 : i32
      %dma_wait3A_26 = arith.constant 0 : i32
      %dma_wait3A_27 = tpu.memref_slice %arg3[%add3A, %dma_wait3A_25, %dma_wait3A_26] : memref<32x125x80xi32, #tpu.memory_space<hbm>> -> memref<1x125x80xi32, #tpu.memory_space<hbm>>
      %dma_wait3A_28 = tpu.memref_squeeze %dma_wait3A_27 : memref<1x125x80xi32, #tpu.memory_space<hbm>> -> memref<125x80xi32, #tpu.memory_space<hbm>>
      tpu.wait_dma2 semaphore(%run_scoped3A : memref<!tpu.dma_semaphore, #tpu.memory_space<semaphore_mem>>) src(%dma_wait3A_28 : memref<125x80xi32, #tpu.memory_space<hbm>>) dst(%arg8 : memref<125x80xi32, #tpu.memory_space<vmem>>)
      tpu.yield
    }) : () -> ()
    %barrier3A = arith.constant 0 : index
    tpu.barrier barrier_id(%barrier3A)
    %scan3A = arith.constant 0 : i32
    %scan3A_5 = arith.constant 0 : i32
    %scan3A_6 = arith.constant 125 : i32
    %scan3A_7 = arith.addi %scan3A_5, %scan3A_6 : i32
    %scan3A_8 = arith.constant 1 : i32
    scf.for %scan3A_15 = %scan3A_5 to %scan3A_7 step %scan3A_8  : i32 {
      "tpu.region"() ({
        %run_scoped3A = tpu.sem_alloc : memref<!tpu.dma_semaphore, #tpu.memory_space<semaphore_mem>>
        %dma_start3A = arith.constant 0 : i32
        %dma_start3A_16 = tpu.memref_slice %arg7[%scan3A_15, %dma_start3A] : memref<125x80xi32, #tpu.memory_space<vmem>> -> memref<1x80xi32, #tpu.memory_space<vmem>>
        %dma_start3A_17 = tpu.memref_squeeze %dma_start3A_16 : memref<1x80xi32, #tpu.memory_space<vmem>> -> memref<80xi32, #tpu.memory_space<vmem>>
        %dma_start3A_18 = arith.constant 0 : i32
        %dma_start3A_19 = arith.constant 0 : i32
        %dma_start3A_20 = tpu.memref_slice %arg4[%dma_start3A_18, %dma_start3A_19] : memref<10000x128xf32, #tpu.memory_space<hbm>> -> memref<10000x128xf32, #tpu.memory_space<hbm>>
        tpu.enqueue_indirect_dma source(%dma_start3A_20 : memref<10000x128xf32, #tpu.memory_space<hbm>>) target(%arg9 : memref<80x128xf32, #tpu.memory_space<vmem>>) offsets(%dma_start3A_17 : memref<80xi32, #tpu.memory_space<vmem>>) semaphore(%run_scoped3A : memref<!tpu.dma_semaphore, #tpu.memory_space<semaphore_mem>>)
        %dma_wait3A = arith.constant 0 : i32
        %dma_wait3A_21 = tpu.memref_slice %arg7[%scan3A_15, %dma_wait3A] : memref<125x80xi32, #tpu.memory_space<vmem>> -> memref<1x80xi32, #tpu.memory_space<vmem>>
        %dma_wait3A_22 = tpu.memref_squeeze %dma_wait3A_21 : memref<1x80xi32, #tpu.memory_space<vmem>> -> memref<80xi32, #tpu.memory_space<vmem>>
        %dma_wait3A_23 = arith.constant 0 : i32
        %dma_wait3A_24 = arith.constant 0 : i32
        %dma_wait3A_25 = tpu.memref_slice %arg4[%dma_wait3A_23, %dma_wait3A_24] : memref<10000x128xf32, #tpu.memory_space<hbm>> -> memref<10000x128xf32, #tpu.memory_space<hbm>>
        tpu.wait_indirect_dma semaphore(%run_scoped3A : memref<!tpu.dma_semaphore, #tpu.memory_space<semaphore_mem>>) src(%dma_wait3A_25 : memref<10000x128xf32, #tpu.memory_space<hbm>>) dst(%arg9 : memref<80x128xf32, #tpu.memory_space<vmem>>)
        tpu.yield
      }) : () -> ()
      "tpu.region"() ({
        %run_scoped3A = tpu.sem_alloc : memref<!tpu.dma_semaphore, #tpu.memory_space<semaphore_mem>>
        %dma_start3A = arith.constant 0 : i32
        %dma_start3A_16 = tpu.memref_slice %arg8[%scan3A_15, %dma_start3A] : memref<125x80xi32, #tpu.memory_space<vmem>> -> memref<1x80xi32, #tpu.memory_space<vmem>>
        %dma_start3A_17 = tpu.memref_squeeze %dma_start3A_16 : memref<1x80xi32, #tpu.memory_space<vmem>> -> memref<80xi32, #tpu.memory_space<vmem>>
        %dma_start3A_18 = arith.constant 0 : i32
        %dma_start3A_19 = arith.constant 0 : i32
        %dma_start3A_20 = tpu.memref_slice %arg10[%dma_start3A_18, %dma_start3A_19] : memref<10240x128xf32, #tpu.memory_space<vmem_shared>> -> memref<10240x128xf32, #tpu.memory_space<vmem_shared>>
        tpu.enqueue_indirect_dma source(%arg9 : memref<80x128xf32, #tpu.memory_space<vmem>>) target(%dma_start3A_20 : memref<10240x128xf32, #tpu.memory_space<vmem_shared>>) offsets(%dma_start3A_17 : memref<80xi32, #tpu.memory_space<vmem>>) semaphore(%run_scoped3A : memref<!tpu.dma_semaphore, #tpu.memory_space<semaphore_mem>>) {add = true}
        %dma_wait3A = arith.constant 0 : i32
        %dma_wait3A_21 = tpu.memref_slice %arg8[%scan3A_15, %dma_wait3A] : memref<125x80xi32, #tpu.memory_space<vmem>> -> memref<1x80xi32, #tpu.memory_space<vmem>>
        %dma_wait3A_22 = tpu.memref_squeeze %dma_wait3A_21 : memref<1x80xi32, #tpu.memory_space<vmem>> -> memref<80xi32, #tpu.memory_space<vmem>>
        %dma_wait3A_23 = arith.constant 0 : i32
        %dma_wait3A_24 = arith.constant 0 : i32
        %dma_wait3A_25 = tpu.memref_slice %arg10[%dma_wait3A_23, %dma_wait3A_24] : memref<10240x128xf32, #tpu.memory_space<vmem_shared>> -> memref<10240x128xf32, #tpu.memory_space<vmem_shared>>
        tpu.wait_indirect_dma semaphore(%run_scoped3A : memref<!tpu.dma_semaphore, #tpu.memory_space<semaphore_mem>>) src(%arg9 : memref<80x128xf32, #tpu.memory_space<vmem>>) dst(%dma_wait3A_25 : memref<10240x128xf32, #tpu.memory_space<vmem_shared>>)
        tpu.yield
      }) : () -> ()
    }
    %scan3A_9 = arith.constant 125 : i32
    %barrier3A_10 = arith.constant 0 : index
    tpu.barrier barrier_id(%barrier3A_10)
    %mul3A_11 = arith.constant 640 : i32
    %mul3A_12 = arith.muli %arg1, %mul3A_11 : i32
    %mul3A_13 = arith.constant 640 : i32
    %mul3A_14 = arith.muli %arg1, %mul3A_13 : i32
    "tpu.region"() ({
      %run_scoped3A = tpu.sem_alloc : memref<!tpu.dma_semaphore, #tpu.memory_space<semaphore_mem>>
      %dma_start3A = arith.constant 0 : i32
      %dma_start3A_15 = tpu.memref_slice %arg6[%arg0, %mul3A_14, %dma_start3A] : memref<2x10240x128xf32, #tpu.memory_space<hbm>> -> memref<1x640x128xf32, #tpu.memory_space<hbm>>
      %dma_start3A_16 = tpu.memref_squeeze %dma_start3A_15 : memref<1x640x128xf32, #tpu.memory_space<hbm>> -> memref<640x128xf32, #tpu.memory_space<hbm>>
      %dma_start3A_17 = arith.constant 0 : i32
      %dma_start3A_18 = tpu.memref_slice %arg10[%mul3A_12, %dma_start3A_17] : memref<10240x128xf32, #tpu.memory_space<vmem_shared>> -> memref<640x128xf32, #tpu.memory_space<vmem_shared>>
      tpu.enqueue_dma source(%dma_start3A_18 : memref<640x128xf32, #tpu.memory_space<vmem_shared>>) target(%dma_start3A_16 : memref<640x128xf32, #tpu.memory_space<hbm>>) target_semaphore(%run_scoped3A : memref<!tpu.dma_semaphore, #tpu.memory_space<semaphore_mem>>)
      %dma_wait3A = arith.constant 0 : i32
      %dma_wait3A_19 = tpu.memref_slice %arg6[%arg0, %mul3A_14, %dma_wait3A] : memref<2x10240x128xf32, #tpu.memory_space<hbm>> -> memref<1x640x128xf32, #tpu.memory_space<hbm>>
      %dma_wait3A_20 = tpu.memref_squeeze %dma_wait3A_19 : memref<1x640x128xf32, #tpu.memory_space<hbm>> -> memref<640x128xf32, #tpu.memory_space<hbm>>
      %dma_wait3A_21 = arith.constant 0 : i32
      %dma_wait3A_22 = tpu.memref_slice %arg10[%mul3A_12, %dma_wait3A_21] : memref<10240x128xf32, #tpu.memory_space<vmem_shared>> -> memref<640x128xf32, #tpu.memory_space<vmem_shared>>
      tpu.wait_dma2 semaphore(%run_scoped3A : memref<!tpu.dma_semaphore, #tpu.memory_space<semaphore_mem>>) src(%dma_wait3A_22 : memref<640x128xf32, #tpu.memory_space<vmem_shared>>) dst(%dma_wait3A_20 : memref<640x128xf32, #tpu.memory_space<hbm>>)
      tpu.yield
    }) : () -> ()
    return
  }
}

module attributes {stable_mosaic.version = 14 : i64} {
  func.func @body(%arg0: i32, %arg1: memref<1000x128xf32, #tpu.memory_space<vmem>>, %arg2: memref<128x128xf32, #tpu.memory_space<vmem>>, %arg3: memref<2x1000x128xf32, #tpu.memory_space<vmem>>, %arg4: memref<1000x128xf32, #tpu.memory_space<vmem>>, %arg5: memref<1000x128xf32, #tpu.memory_space<vmem>>) attributes {dimension_semantics = [#tpu.dimension_semantics<arbitrary>], iteration_bounds = array<i64: 10>, scalar_prefetch = 0 : i64, scratch_operands = 0 : i64, tpu.core_type = #tpu.core_type<tc>, window_params = [{transform_indices = @transform_0, window_bounds = array<i64: 1000, 128>}, {pipeline_mode = #tpu.pipeline_mode<synchronous>, transform_indices = @transform_1, window_bounds = array<i64: 128, 128>}, {transform_indices = @transform_2, window_bounds = array<i64: 2, 1000, 128>}, {transform_indices = @transform_3, window_bounds = array<i64: 1000, 128>}, {transform_indices = @transform_4, window_bounds = array<i64: 1000, 128>}]} {
    %get3A = arith.constant 0 : index
    %get3A_0 = arith.constant 0 : index
    %get3A_1 = arith.constant 0 : index
    %get3A_2 = vector.load %arg3[%get3A, %get3A_0, %get3A_1] : memref<2x1000x128xf32, #tpu.memory_space<vmem>>, vector<1x1000x128xf32>
    %get3A_3 = vector.shape_cast %get3A_2 : vector<1x1000x128xf32> to vector<1000x128xf32>
    %get3A_4 = arith.constant 1 : index
    %get3A_5 = arith.constant 0 : index
    %get3A_6 = arith.constant 0 : index
    %get3A_7 = vector.load %arg3[%get3A_4, %get3A_5, %get3A_6] : memref<2x1000x128xf32, #tpu.memory_space<vmem>>, vector<1x1000x128xf32>
    %get3A_8 = vector.shape_cast %get3A_7 : vector<1x1000x128xf32> to vector<1000x128xf32>
    %add3A = arith.addf %get3A_3, %get3A_8 : vector<1000x128xf32>
    %add3A_9 = arith.constant 1.000000e+00 : f32
    %add3A_10 = vector.broadcast %add3A_9 : f32 to vector<1000x128xf32>
    %add3A_11 = arith.addf %add3A, %add3A_10 : vector<1000x128xf32>
    %rsqrt3A = math.rsqrt %add3A_11 : vector<1000x128xf32>
    %get3A_12 = arith.constant 0 : index
    %get3A_13 = arith.constant 0 : index
    %get3A_14 = vector.load %arg1[%get3A_12, %get3A_13] : memref<1000x128xf32, #tpu.memory_space<vmem>>, vector<1000x128xf32>
    %get3A_15 = arith.constant 0 : index
    %get3A_16 = arith.constant 0 : index
    %get3A_17 = vector.load %arg2[%get3A_15, %get3A_16] : memref<128x128xf32, #tpu.memory_space<vmem>>, vector<128x128xf32>
    %dot_general3A = arith.constant dense<0.000000e+00> : vector<1000x128xf32>
    %dot_general3A_18 = tpu.matmul %get3A_14, %get3A_17, %dot_general3A {dimension_numbers = #tpu.dot_dimension_numbers<[1], [0], [0], [1], [0, 0, 1, 1], [], []>, transpose_lhs_hint = false} : vector<1000x128xf32>, vector<128x128xf32>, vector<1000x128xf32> -> vector<1000x128xf32>
    %mul3A = arith.mulf %dot_general3A_18, %rsqrt3A : vector<1000x128xf32>
    %swap3A = arith.constant 0 : index
    %swap3A_19 = arith.constant 0 : index
    %swap3A_20 = vector.load %arg4[%swap3A, %swap3A_19] : memref<1000x128xf32, #tpu.memory_space<vmem>>, vector<1000x128xf32>
    tpu.vector_store %arg4[%swap3A, %swap3A_19], %mul3A {strides = array<i32>} : memref<1000x128xf32, #tpu.memory_space<vmem>>, vector<1000x128xf32>,
    %swap3A_21 = arith.constant 0 : index
    %swap3A_22 = arith.constant 0 : index
    %swap3A_23 = vector.load %arg5[%swap3A_21, %swap3A_22] : memref<1000x128xf32, #tpu.memory_space<vmem>>, vector<1000x128xf32>
    tpu.vector_store %arg5[%swap3A_21, %swap3A_22], %rsqrt3A {strides = array<i32>} : memref<1000x128xf32, #tpu.memory_space<vmem>>, vector<1000x128xf32>,
    return
  }
  func.func @transform_0(%arg0: i32) -> (i32, i32) {
    %c0_i32 = arith.constant 0 : i32
    %c0_i32_0 = arith.constant 0 : i32
    return %arg0, %c0_i32 : i32, i32
  }
  func.func @transform_1(%arg0: i32) -> (i32, i32) {
    %c0_i32 = arith.constant 0 : i32
    %c0_i32_0 = arith.constant 0 : i32
    %c0_i32_1 = arith.constant 0 : i32
    return %c0_i32, %c0_i32_0 : i32, i32
  }
  func.func @transform_2(%arg0: i32) -> (i32, i32, i32) {
    %c0_i32 = arith.constant 0 : i32
    %c0_i32_0 = arith.constant 0 : i32
    %c0_i32_1 = arith.constant 0 : i32
    return %c0_i32, %arg0, %c0_i32_0 : i32, i32, i32
  }
  func.func @transform_3(%arg0: i32) -> (i32, i32) {
    %c0_i32 = arith.constant 0 : i32
    %c0_i32_0 = arith.constant 0 : i32
    return %arg0, %c0_i32 : i32, i32
  }
  func.func @transform_4(%arg0: i32) -> (i32, i32) {
    %c0_i32 = arith.constant 0 : i32
    %c0_i32_0 = arith.constant 0 : i32
    return %arg0, %c0_i32 : i32, i32
  }
}

module attributes {stable_mosaic.version = 14 : i64} {
  func.func @body(%arg0: i32, %arg1: memref<2x1000x128xf32, #tpu.memory_space<vmem>>, %arg2: memref<1000x128xf32, #tpu.memory_space<vmem>>, %arg3: memref<1000x128xf32, #tpu.memory_space<vmem>>, %arg4: memref<1x128xf32, #tpu.memory_space<vmem>>, %arg5: memref<128x128xf32, #tpu.memory_space<vmem>>, %arg6: memref<1000x128xf32, #tpu.memory_space<vmem>>) attributes {dimension_semantics = [#tpu.dimension_semantics<arbitrary>], iteration_bounds = array<i64: 10>, scalar_prefetch = 0 : i64, scratch_operands = 0 : i64, tpu.core_type = #tpu.core_type<tc>, window_params = [{transform_indices = @transform_0, window_bounds = array<i64: 2, 1000, 128>}, {transform_indices = @transform_1, window_bounds = array<i64: 1000, 128>}, {transform_indices = @transform_2, window_bounds = array<i64: 1000, 128>}, {pipeline_mode = #tpu.pipeline_mode<synchronous>, transform_indices = @transform_3, window_bounds = array<i64: 1, 128>}, {pipeline_mode = #tpu.pipeline_mode<synchronous>, transform_indices = @transform_4, window_bounds = array<i64: 128, 128>}, {transform_indices = @transform_5, window_bounds = array<i64: 1000, 128>}]} {
    %get3A = arith.constant 0 : index
    %get3A_0 = arith.constant 0 : index
    %get3A_1 = vector.load %arg3[%get3A, %get3A_0] : memref<1000x128xf32, #tpu.memory_space<vmem>>, vector<1000x128xf32>
    %get3A_2 = arith.constant 0 : index
    %get3A_3 = arith.constant 0 : index
    %get3A_4 = arith.constant 0 : index
    %get3A_5 = vector.load %arg1[%get3A_2, %get3A_3, %get3A_4] : memref<2x1000x128xf32, #tpu.memory_space<vmem>>, vector<1x1000x128xf32>
    %get3A_6 = vector.shape_cast %get3A_5 : vector<1x1000x128xf32> to vector<1000x128xf32>
    %get3A_7 = arith.constant 1 : index
    %get3A_8 = arith.constant 0 : index
    %get3A_9 = arith.constant 0 : index
    %get3A_10 = vector.load %arg1[%get3A_7, %get3A_8, %get3A_9] : memref<2x1000x128xf32, #tpu.memory_space<vmem>>, vector<1x1000x128xf32>
    %get3A_11 = vector.shape_cast %get3A_10 : vector<1x1000x128xf32> to vector<1000x128xf32>
    %add3A = arith.addf %get3A_6, %get3A_11 : vector<1000x128xf32>
    %get3A_12 = arith.constant 0 : index
    %get3A_13 = arith.constant 0 : index
    %get3A_14 = vector.load %arg2[%get3A_12, %get3A_13] : memref<1000x128xf32, #tpu.memory_space<vmem>>, vector<1000x128xf32>
    %add3A_15 = arith.addf %add3A, %get3A_14 : vector<1000x128xf32>
    %mul3A = arith.mulf %get3A_1, %add3A_15 : vector<1000x128xf32>
    %get3A_16 = arith.constant 0 : index
    %get3A_17 = arith.constant 0 : index
    %get3A_18 = vector.load %arg4[%get3A_16, %get3A_17] : memref<1x128xf32, #tpu.memory_space<vmem>>, vector<1x128xf32>
    %add3A_19 = vector.broadcast %get3A_18 : vector<1x128xf32> to vector<1000x128xf32>
    %add3A_20 = arith.addf %mul3A, %add3A_19 : vector<1000x128xf32>
    %ge3A = arith.constant 0.000000e+00 : f32
    %ge3A_21 = vector.broadcast %ge3A : f32 to vector<1000x128xf32>
    %ge3A_22 = arith.cmpf oge, %add3A_20, %ge3A_21 : vector<1000x128xf32>
    %mul3A_23 = arith.constant 2.000000e-01 : f32
    %mul3A_24 = vector.broadcast %mul3A_23 : f32 to vector<1000x128xf32>
    %mul3A_25 = arith.mulf %mul3A_24, %add3A_20 : vector<1000x128xf32>
    %select_n3A = arith.select %ge3A_22, %add3A_20, %mul3A_25 : vector<1000x128xi1>, vector<1000x128xf32>
    %get3A_26 = arith.constant 0 : index
    %get3A_27 = arith.constant 0 : index
    %get3A_28 = vector.load %arg3[%get3A_26, %get3A_27] : memref<1000x128xf32, #tpu.memory_space<vmem>>, vector<1000x128xf32>
    %get3A_29 = arith.constant 0 : index
    %get3A_30 = arith.constant 0 : index
    %get3A_31 = vector.load %arg5[%get3A_29, %get3A_30] : memref<128x128xf32, #tpu.memory_space<vmem>>, vector<128x128xf32>
    %dot_general3A = arith.constant dense<0.000000e+00> : vector<1000x128xf32>
    %dot_general3A_32 = tpu.matmul %select_n3A, %get3A_31, %dot_general3A {dimension_numbers = #tpu.dot_dimension_numbers<[1], [0], [0], [1], [0, 0, 1, 1], [], []>, transpose_lhs_hint = false} : vector<1000x128xf32>, vector<128x128xf32>, vector<1000x128xf32> -> vector<1000x128xf32>
    %mul3A_33 = arith.mulf %get3A_28, %dot_general3A_32 : vector<1000x128xf32>
    %swap3A = arith.constant 0 : index
    %swap3A_34 = arith.constant 0 : index
    %swap3A_35 = vector.load %arg6[%swap3A, %swap3A_34] : memref<1000x128xf32, #tpu.memory_space<vmem>>, vector<1000x128xf32>
    tpu.vector_store %arg6[%swap3A, %swap3A_34], %mul3A_33 {strides = array<i32>} : memref<1000x128xf32, #tpu.memory_space<vmem>>, vector<1000x128xf32>,
    return
  }
  func.func @transform_0(%arg0: i32) -> (i32, i32, i32) {
    %c0_i32 = arith.constant 0 : i32
    %c0_i32_0 = arith.constant 0 : i32
    %c0_i32_1 = arith.constant 0 : i32
    return %c0_i32, %arg0, %c0_i32_0 : i32, i32, i32
  }
  func.func @transform_1(%arg0: i32) -> (i32, i32) {
    %c0_i32 = arith.constant 0 : i32
    %c0_i32_0 = arith.constant 0 : i32
    return %arg0, %c0_i32 : i32, i32
  }
  func.func @transform_2(%arg0: i32) -> (i32, i32) {
    %c0_i32 = arith.constant 0 : i32
    %c0_i32_0 = arith.constant 0 : i32
    return %arg0, %c0_i32 : i32, i32
  }
  func.func @transform_3(%arg0: i32) -> (i32, i32) {
    %c0_i32 = arith.constant 0 : i32
    %c0_i32_0 = arith.constant 0 : i32
    %c0_i32_1 = arith.constant 0 : i32
    return %c0_i32, %c0_i32_0 : i32, i32
  }
  func.func @transform_4(%arg0: i32) -> (i32, i32) {
    %c0_i32 = arith.constant 0 : i32
    %c0_i32_0 = arith.constant 0 : i32
    %c0_i32_1 = arith.constant 0 : i32
    return %c0_i32, %c0_i32_0 : i32, i32
  }
  func.func @transform_5(%arg0: i32) -> (i32, i32) {
    %c0_i32 = arith.constant 0 : i32
    %c0_i32_0 = arith.constant 0 : i32
    return %arg0, %c0_i32 : i32, i32
  }
}

module attributes {stable_mosaic.version = 14 : i64} {
  func.func @body(%arg0: i32, %arg1: memref<2x1000x128xf32, #tpu.memory_space<vmem>>, %arg2: memref<1000x128xf32, #tpu.memory_space<vmem>>, %arg3: memref<1000x128xf32, #tpu.memory_space<vmem>>, %arg4: memref<1x128xf32, #tpu.memory_space<vmem>>, %arg5: memref<1x128xf32, #tpu.memory_space<vmem>>, %arg6: memref<1x128xf32, #tpu.memory_space<vmem>>, %arg7: memref<1x128xf32, #tpu.memory_space<vmem>>, %arg8: memref<1x128xf32, #tpu.memory_space<vmem>>, %arg9: memref<1x1x1000xi32, #tpu.memory_space<vmem>>, %arg10: memref<128x10xf32, #tpu.memory_space<vmem>>, %arg11: memref<1x10xf32, #tpu.memory_space<vmem>>, %arg12: memref<16x10xf32, #tpu.memory_space<vmem>>, %arg13: memref<16x128xf32, #tpu.memory_space<vmem>>, %arg14: memref<16x128xf32, #tpu.memory_space<vmem>>) attributes {dimension_semantics = [#tpu.dimension_semantics<arbitrary>], iteration_bounds = array<i64: 10>, scalar_prefetch = 0 : i64, scratch_operands = 2 : i64, tpu.core_type = #tpu.core_type<tc>, window_params = [{transform_indices = @transform_0, window_bounds = array<i64: 2, 1000, 128>}, {transform_indices = @transform_1, window_bounds = array<i64: 1000, 128>}, {transform_indices = @transform_2, window_bounds = array<i64: 1000, 128>}, {pipeline_mode = #tpu.pipeline_mode<synchronous>, transform_indices = @transform_3, window_bounds = array<i64: 1, 128>}, {pipeline_mode = #tpu.pipeline_mode<synchronous>, transform_indices = @transform_4, window_bounds = array<i64: 1, 128>}, {pipeline_mode = #tpu.pipeline_mode<synchronous>, transform_indices = @transform_5, window_bounds = array<i64: 1, 128>}, {pipeline_mode = #tpu.pipeline_mode<synchronous>, transform_indices = @transform_6, window_bounds = array<i64: 1, 128>}, {pipeline_mode = #tpu.pipeline_mode<synchronous>, transform_indices = @transform_7, window_bounds = array<i64: 1, 128>}, {transform_indices = @transform_8, window_bounds = array<i64: 1, 1, 1000>}, {pipeline_mode = #tpu.pipeline_mode<synchronous>, transform_indices = @transform_9, window_bounds = array<i64: 128, 10>}, {pipeline_mode = #tpu.pipeline_mode<synchronous>, transform_indices = @transform_10, window_bounds = array<i64: 1, 10>}, {pipeline_mode = #tpu.pipeline_mode<synchronous>, transform_indices = @transform_11, window_bounds = array<i64: 16, 10>}]} {
    %get3A = arith.constant 0 : index
    %get3A_0 = arith.constant 0 : index
    %get3A_1 = vector.load %arg3[%get3A, %get3A_0] : memref<1000x128xf32, #tpu.memory_space<vmem>>, vector<1000x128xf32>
    %get3A_2 = arith.constant 0 : index
    %get3A_3 = arith.constant 0 : index
    %get3A_4 = arith.constant 0 : index
    %get3A_5 = vector.load %arg1[%get3A_2, %get3A_3, %get3A_4] : memref<2x1000x128xf32, #tpu.memory_space<vmem>>, vector<1x1000x128xf32>
    %get3A_6 = vector.shape_cast %get3A_5 : vector<1x1000x128xf32> to vector<1000x128xf32>
    %get3A_7 = arith.constant 1 : index
    %get3A_8 = arith.constant 0 : index
    %get3A_9 = arith.constant 0 : index
    %get3A_10 = vector.load %arg1[%get3A_7, %get3A_8, %get3A_9] : memref<2x1000x128xf32, #tpu.memory_space<vmem>>, vector<1x1000x128xf32>
    %get3A_11 = vector.shape_cast %get3A_10 : vector<1x1000x128xf32> to vector<1000x128xf32>
    %add3A = arith.addf %get3A_6, %get3A_11 : vector<1000x128xf32>
    %get3A_12 = arith.constant 0 : index
    %get3A_13 = arith.constant 0 : index
    %get3A_14 = vector.load %arg2[%get3A_12, %get3A_13] : memref<1000x128xf32, #tpu.memory_space<vmem>>, vector<1000x128xf32>
    %add3A_15 = arith.addf %add3A, %get3A_14 : vector<1000x128xf32>
    %mul3A = arith.mulf %get3A_1, %add3A_15 : vector<1000x128xf32>
    %get3A_16 = arith.constant 0 : index
    %get3A_17 = arith.constant 0 : index
    %get3A_18 = vector.load %arg4[%get3A_16, %get3A_17] : memref<1x128xf32, #tpu.memory_space<vmem>>, vector<1x128xf32>
    %add3A_19 = vector.broadcast %get3A_18 : vector<1x128xf32> to vector<1000x128xf32>
    %add3A_20 = arith.addf %mul3A, %add3A_19 : vector<1000x128xf32>
    %ge3A = arith.constant 0.000000e+00 : f32
    %ge3A_21 = vector.broadcast %ge3A : f32 to vector<1000x128xf32>
    %ge3A_22 = arith.cmpf oge, %add3A_20, %ge3A_21 : vector<1000x128xf32>
    %mul3A_23 = arith.constant 2.000000e-01 : f32
    %mul3A_24 = vector.broadcast %mul3A_23 : f32 to vector<1000x128xf32>
    %mul3A_25 = arith.mulf %mul3A_24, %add3A_20 : vector<1000x128xf32>
    %select_n3A = arith.select %ge3A_22, %add3A_20, %mul3A_25 : vector<1000x128xi1>, vector<1000x128xf32>
    %get3A_26 = arith.constant 0 : index
    %get3A_27 = arith.constant 0 : index
    %get3A_28 = vector.load %arg7[%get3A_26, %get3A_27] : memref<1x128xf32, #tpu.memory_space<vmem>>, vector<1x128xf32>
    %sub3A = vector.broadcast %get3A_28 : vector<1x128xf32> to vector<1000x128xf32>
    %sub3A_29 = arith.subf %select_n3A, %sub3A : vector<1000x128xf32>
    %get3A_30 = arith.constant 0 : index
    %get3A_31 = arith.constant 0 : index
    %get3A_32 = vector.load %arg8[%get3A_30, %get3A_31] : memref<1x128xf32, #tpu.memory_space<vmem>>, vector<1x128xf32>
    %add3A_33 = arith.constant 9.99999974E-6 : f32
    %add3A_34 = vector.broadcast %add3A_33 : f32 to vector<1x128xf32>
    %add3A_35 = arith.addf %get3A_32, %add3A_34 : vector<1x128xf32>
    %rsqrt3A = math.rsqrt %add3A_35 : vector<1x128xf32>
    %mul3A_36 = vector.broadcast %rsqrt3A : vector<1x128xf32> to vector<1000x128xf32>
    %mul3A_37 = arith.mulf %sub3A_29, %mul3A_36 : vector<1000x128xf32>
    %get3A_38 = arith.constant 0 : index
    %get3A_39 = arith.constant 0 : index
    %get3A_40 = vector.load %arg5[%get3A_38, %get3A_39] : memref<1x128xf32, #tpu.memory_space<vmem>>, vector<1x128xf32>
    %mul3A_41 = vector.broadcast %get3A_40 : vector<1x128xf32> to vector<1000x128xf32>
    %mul3A_42 = arith.mulf %mul3A_37, %mul3A_41 : vector<1000x128xf32>
    %get3A_43 = arith.constant 0 : index
    %get3A_44 = arith.constant 0 : index
    %get3A_45 = vector.load %arg6[%get3A_43, %get3A_44] : memref<1x128xf32, #tpu.memory_space<vmem>>, vector<1x128xf32>
    %add3A_46 = vector.broadcast %get3A_45 : vector<1x128xf32> to vector<1000x128xf32>
    %add3A_47 = arith.addf %mul3A_42, %add3A_46 : vector<1000x128xf32>
    %get3A_48 = arith.constant 0 : index
    %get3A_49 = arith.constant 0 : index
    %get3A_50 = arith.constant 0 : index
    %get3A_51 = vector.load %arg9[%get3A_48, %get3A_49, %get3A_50] : memref<1x1x1000xi32, #tpu.memory_space<vmem>>, vector<1x1x1000xi32>
    %get3A_52 = vector.shape_cast %get3A_51 : vector<1x1x1000xi32> to vector<1000xi32>
    %broadcast_in_dim3A = vector.shape_cast %get3A_52 : vector<1000xi32> to vector<1000x1xi32>
    %iota3A = tpu.iota {dimensions = array<i32: 1>} : vector<1000x16xi32>
    %eq3A = vector.broadcast %broadcast_in_dim3A : vector<1000x1xi32> to vector<1000x16xi32>
    %eq3A_53 = arith.cmpi eq, %eq3A, %iota3A : vector<1000x16xi32>
    %convert_element_type3A = arith.extui %eq3A_53 : vector<1000x16xi1> to vector<1000x16xi32>
    %convert_element_type3A_54 = arith.sitofp %convert_element_type3A : vector<1000x16xi32> to vector<1000x16xf32>
    %dot_general3A = arith.constant dense<0.000000e+00> : vector<16x128xf32>
    %dot_general3A_55 = tpu.matmul %convert_element_type3A_54, %add3A_47, %dot_general3A {dimension_numbers = #tpu.dot_dimension_numbers<[0], [0], [1], [1], [0, 1, 1, 1], [], []>, transpose_lhs_hint = false} : vector<1000x16xf32>, vector<1000x128xf32>, vector<16x128xf32> -> vector<16x128xf32>
    %reduce_sum3A = arith.constant dense<0.000000e+00> : vector<16xf32>
    %reduce_sum3A_56 = vector.multi_reduction <add>, %convert_element_type3A_54, %reduce_sum3A [0] : vector<1000x16xf32> to vector<16xf32>
    %broadcast_in_dim3A_57 = vector.shape_cast %reduce_sum3A_56 : vector<16xf32> to vector<16x1xf32>
    %broadcast_in_dim3A_58 = vector.shape_cast %broadcast_in_dim3A_57 : vector<16x1xf32> to vector<16x1xf32>
    %broadcast_in_dim3A_59 = vector.broadcast %broadcast_in_dim3A_58 : vector<16x1xf32> to vector<16x128xf32>
    %eq3A_60 = arith.constant 0 : i32
    %eq3A_61 = arith.cmpi eq, %arg0, %eq3A_60 : i32
    %convert_element_type3A_62 = arith.extui %eq3A_61 : i1 to i32
    %cond3A = arith.constant 0 : i32
    %cond3A_63 = arith.cmpi ne, %convert_element_type3A_62, %cond3A : i32
    scf.if %cond3A_63 {
      %swap3A = arith.constant 0 : index
      %swap3A_73 = arith.constant 0 : index
      %swap3A_74 = vector.load %arg13[%swap3A, %swap3A_73] : memref<16x128xf32, #tpu.memory_space<vmem>>, vector<16x128xf32>
      tpu.vector_store %arg13[%swap3A, %swap3A_73], %dot_general3A_55 {strides = array<i32>} : memref<16x128xf32, #tpu.memory_space<vmem>>, vector<16x128xf32>,
      %swap3A_75 = arith.constant 0 : index
      %swap3A_76 = arith.constant 0 : index
      %swap3A_77 = vector.load %arg14[%swap3A_75, %swap3A_76] : memref<16x128xf32, #tpu.memory_space<vmem>>, vector<16x128xf32>
      tpu.vector_store %arg14[%swap3A_75, %swap3A_76], %broadcast_in_dim3A_59 {strides = array<i32>} : memref<16x128xf32, #tpu.memory_space<vmem>>, vector<16x128xf32>,
    } else {
    }
    %gt3A = arith.constant 0 : i32
    %gt3A_64 = arith.cmpi sgt, %arg0, %gt3A : i32
    %convert_element_type3A_65 = arith.extui %gt3A_64 : i1 to i32
    %cond3A_66 = arith.constant 0 : i32
    %cond3A_67 = arith.cmpi ne, %convert_element_type3A_65, %cond3A_66 : i32
    scf.if %cond3A_67 {
      %get3A_73 = arith.constant 0 : index
      %get3A_74 = arith.constant 0 : index
      %get3A_75 = vector.load %arg13[%get3A_73, %get3A_74] : memref<16x128xf32, #tpu.memory_space<vmem>>, vector<16x128xf32>
      %add3A_76 = arith.addf %get3A_75, %dot_general3A_55 : vector<16x128xf32>
      %swap3A = arith.constant 0 : index
      %swap3A_77 = arith.constant 0 : index
      %swap3A_78 = vector.load %arg13[%swap3A, %swap3A_77] : memref<16x128xf32, #tpu.memory_space<vmem>>, vector<16x128xf32>
      tpu.vector_store %arg13[%swap3A, %swap3A_77], %add3A_76 {strides = array<i32>} : memref<16x128xf32, #tpu.memory_space<vmem>>, vector<16x128xf32>,
      %get3A_79 = arith.constant 0 : index
      %get3A_80 = arith.constant 0 : index
      %get3A_81 = vector.load %arg14[%get3A_79, %get3A_80] : memref<16x128xf32, #tpu.memory_space<vmem>>, vector<16x128xf32>
      %add3A_82 = arith.addf %get3A_81, %broadcast_in_dim3A_59 : vector<16x128xf32>
      %swap3A_83 = arith.constant 0 : index
      %swap3A_84 = arith.constant 0 : index
      %swap3A_85 = vector.load %arg14[%swap3A_83, %swap3A_84] : memref<16x128xf32, #tpu.memory_space<vmem>>, vector<16x128xf32>
      tpu.vector_store %arg14[%swap3A_83, %swap3A_84], %add3A_82 {strides = array<i32>} : memref<16x128xf32, #tpu.memory_space<vmem>>, vector<16x128xf32>,
    } else {
    }
    %eq3A_68 = arith.constant 9 : i32
    %eq3A_69 = arith.cmpi eq, %arg0, %eq3A_68 : i32
    %convert_element_type3A_70 = arith.extui %eq3A_69 : i1 to i32
    %cond3A_71 = arith.constant 0 : i32
    %cond3A_72 = arith.cmpi ne, %convert_element_type3A_70, %cond3A_71 : i32
    scf.if %cond3A_72 {
      %get3A_73 = arith.constant 0 : index
      %get3A_74 = arith.constant 0 : index
      %get3A_75 = vector.load %arg13[%get3A_73, %get3A_74] : memref<16x128xf32, #tpu.memory_space<vmem>>, vector<16x128xf32>
      %get3A_76 = arith.constant 0 : index
      %get3A_77 = arith.constant 0 : index
      %get3A_78 = vector.load %arg14[%get3A_76, %get3A_77] : memref<16x128xf32, #tpu.memory_space<vmem>>, vector<16x128xf32>
      %max3A = arith.constant 1.000000e+00 : f32
      %max3A_79 = vector.broadcast %max3A : f32 to vector<16x128xf32>
      %max3A_80 = arith.maximumf %get3A_78, %max3A_79 : vector<16x128xf32>
      %div3A = arith.divf %get3A_75, %max3A_80 : vector<16x128xf32>
      %get3A_81 = arith.constant 0 : index
      %get3A_82 = arith.constant 0 : index
      %get3A_83 = vector.load %arg10[%get3A_81, %get3A_82] : memref<128x10xf32, #tpu.memory_space<vmem>>, vector<128x10xf32>
      %dot_general3A_84 = arith.constant dense<0.000000e+00> : vector<16x10xf32>
      %dot_general3A_85 = tpu.matmul %div3A, %get3A_83, %dot_general3A_84 {dimension_numbers = #tpu.dot_dimension_numbers<[1], [0], [0], [1], [0, 0, 1, 1], [], []>, transpose_lhs_hint = false} : vector<16x128xf32>, vector<128x10xf32>, vector<16x10xf32> -> vector<16x10xf32>
      %get3A_86 = arith.constant 0 : index
      %get3A_87 = arith.constant 0 : index
      %get3A_88 = vector.load %arg11[%get3A_86, %get3A_87] : memref<1x10xf32, #tpu.memory_space<vmem>>, vector<1x10xf32>
      %add3A_89 = vector.broadcast %get3A_88 : vector<1x10xf32> to vector<16x10xf32>
      %add3A_90 = arith.addf %dot_general3A_85, %add3A_89 : vector<16x10xf32>
      %reduce_max3A = arith.constant dense<0xFF800000> : vector<16xf32>
      %reduce_max3A_91 = vector.multi_reduction <maximumf>, %add3A_90, %reduce_max3A [1] : vector<16x10xf32> to vector<16xf32>
      %broadcast_in_dim3A_92 = vector.shape_cast %reduce_max3A_91 : vector<16xf32> to vector<16x1xf32>
      %sub3A_93 = vector.broadcast %broadcast_in_dim3A_92 : vector<16x1xf32> to vector<16x10xf32>
      %sub3A_94 = arith.subf %add3A_90, %sub3A_93 : vector<16x10xf32>
      %exp3A = math.exp %sub3A_94 : vector<16x10xf32>
      %sub3A_95 = vector.broadcast %broadcast_in_dim3A_92 : vector<16x1xf32> to vector<16x10xf32>
      %sub3A_96 = arith.subf %add3A_90, %sub3A_95 : vector<16x10xf32>
      %reduce_sum3A_97 = arith.constant dense<0.000000e+00> : vector<16xf32>
      %reduce_sum3A_98 = vector.multi_reduction <add>, %exp3A, %reduce_sum3A_97 [1] : vector<16x10xf32> to vector<16xf32>
      %broadcast_in_dim3A_99 = vector.shape_cast %reduce_sum3A_98 : vector<16xf32> to vector<16x1xf32>
      %log3A = math.log %broadcast_in_dim3A_99 : vector<16x1xf32>
      %sub3A_100 = vector.broadcast %log3A : vector<16x1xf32> to vector<16x10xf32>
      %sub3A_101 = arith.subf %sub3A_96, %sub3A_100 : vector<16x10xf32>
      %swap3A = arith.constant 0 : index
      %swap3A_102 = arith.constant 0 : index
      %swap3A_103 = vector.load %arg12[%swap3A, %swap3A_102] : memref<16x10xf32, #tpu.memory_space<vmem>>, vector<16x10xf32>
      tpu.vector_store %arg12[%swap3A, %swap3A_102], %sub3A_101 {strides = array<i32>} : memref<16x10xf32, #tpu.memory_space<vmem>>, vector<16x10xf32>,
    } else {
    }
    return
  }
  func.func @transform_0(%arg0: i32) -> (i32, i32, i32) {
    %c0_i32 = arith.constant 0 : i32
    %c0_i32_0 = arith.constant 0 : i32
    %c0_i32_1 = arith.constant 0 : i32
    return %c0_i32, %arg0, %c0_i32_0 : i32, i32, i32
  }
  func.func @transform_1(%arg0: i32) -> (i32, i32) {
    %c0_i32 = arith.constant 0 : i32
    %c0_i32_0 = arith.constant 0 : i32
    return %arg0, %c0_i32 : i32, i32
  }
  func.func @transform_2(%arg0: i32) -> (i32, i32) {
    %c0_i32 = arith.constant 0 : i32
    %c0_i32_0 = arith.constant 0 : i32
    return %arg0, %c0_i32 : i32, i32
  }
  func.func @transform_3(%arg0: i32) -> (i32, i32) {
    %c0_i32 = arith.constant 0 : i32
    %c0_i32_0 = arith.constant 0 : i32
    %c0_i32_1 = arith.constant 0 : i32
    return %c0_i32, %c0_i32_0 : i32, i32
  }
  func.func @transform_4(%arg0: i32) -> (i32, i32) {
    %c0_i32 = arith.constant 0 : i32
    %c0_i32_0 = arith.constant 0 : i32
    %c0_i32_1 = arith.constant 0 : i32
    return %c0_i32, %c0_i32_0 : i32, i32
  }
  func.func @transform_5(%arg0: i32) -> (i32, i32) {
    %c0_i32 = arith.constant 0 : i32
    %c0_i32_0 = arith.constant 0 : i32
    %c0_i32_1 = arith.constant 0 : i32
    return %c0_i32, %c0_i32_0 : i32, i32
  }
  func.func @transform_6(%arg0: i32) -> (i32, i32) {
    %c0_i32 = arith.constant 0 : i32
    %c0_i32_0 = arith.constant 0 : i32
    %c0_i32_1 = arith.constant 0 : i32
    return %c0_i32, %c0_i32_0 : i32, i32
  }
  func.func @transform_7(%arg0: i32) -> (i32, i32) {
    %c0_i32 = arith.constant 0 : i32
    %c0_i32_0 = arith.constant 0 : i32
    %c0_i32_1 = arith.constant 0 : i32
    return %c0_i32, %c0_i32_0 : i32, i32
  }
  func.func @transform_8(%arg0: i32) -> (i32, i32, i32) {
    %c0_i32 = arith.constant 0 : i32
    %c0_i32_0 = arith.constant 0 : i32
    %c0_i32_1 = arith.constant 0 : i32
    return %arg0, %c0_i32, %c0_i32_0 : i32, i32, i32
  }
  func.func @transform_9(%arg0: i32) -> (i32, i32) {
    %c0_i32 = arith.constant 0 : i32
    %c0_i32_0 = arith.constant 0 : i32
    %c0_i32_1 = arith.constant 0 : i32
    return %c0_i32, %c0_i32_0 : i32, i32
  }
  func.func @transform_10(%arg0: i32) -> (i32, i32) {
    %c0_i32 = arith.constant 0 : i32
    %c0_i32_0 = arith.constant 0 : i32
    %c0_i32_1 = arith.constant 0 : i32
    return %c0_i32, %c0_i32_0 : i32, i32
  }
  func.func @transform_11(%arg0: i32) -> (i32, i32) {
    %c0_i32 = arith.constant 0 : i32
    %c0_i32_0 = arith.constant 0 : i32
    %c0_i32_1 = arith.constant 0 : i32
    return %c0_i32, %c0_i32_0 : i32, i32
  }
}

</mosaic_0001>

<sc_bundles>
// kernel: kernel.11.cloned.1.call-start
scs
__scs_entry_jumppad:
0x0: {  	(pc) =	sbr.rel $0x88, $3  }
0x1: {  	(tag) =	ssettag $0x0;
	lr =	simm.s32 $0x1  }
0x2: {  	[smem:$0x3F94] =	sst lr;
	_ =	strace $0xD0000000  }
0x3: {  	_ = 	snop  }
0x4: {  	_ = 	snop  }
0x5: {  	_ = 	snop  }
0x6: {  	_ = 	snop  }
0x7: {  	_ = 	snop  }
__scs_overlays_trampoline_lowered:
0x8: {  	[smem:$0x3FA3] =	sst s0  }
0x9: {  	[smem:$0x3FA4] =	sst s1  }
0xa: {  	[smem:$0x3FA5] =	sst s2  }
0xb: {  	[smem:$0x3FA6] =	sst s3  }
0xc: {  	[smem:$0x3FA7] =	sst s4  }
0xd: {  	[smem:$0x3FA8] =	sst s5  }
0xe: {  	[smem:$0x3FA9] =	sst s6  }
0xf: {  	[smem:$0x3FAA] =	sst s7  }
0x10: {  	[smem:$0x3FAB] =	sst s8  }
0x11: {  	[smem:$0x3FAC] =	sst s9;
	s0 =	simm.s32 @!p0 $0x0  }
0x12: {  	s1 =	sld [smem:$0x3F92];
	s0 =	simm.s32 @p0 $0x1  }
0x13: {  	[smem:$0x3FAD] =	sst s0;
	s0 =	simm.s32 @!p1 $0x0  }
0x14: {  	s2 =	sld [smem:$0x3F91];
	s0 =	simm.s32 @p1 $0x1  }
0x15: {  	[smem:$0x3FAE] =	sst s0;
	s0 =	simm.s32 @!p2 $0x0  }
0x16: {  	s3 =	sld [smem:$0x3FDB];
	s0 =	simm.s32 @p2 $0x1  }
0x17: {  	s4 =	simm.s32 $0x1BF5;
	[smem:$0x3FB0] =	sst s0  }
0x18: {  	s0 =	sld [smem:$0x3F93];
	_ =	swait.ge [sflag:s4], $0x0  }
0x19: {  	s7 =	sld [smem:$0x3F94]  }
0x1a: {  	s8 =	sadd.s32 $0xFFFFE003, lr  }
0x1b: {  	s9 =	sadd.s32 $0xFFFFFEF7, lr;
	s5 =	simm.s32 $0xFFFFFFFF;
	p2 =	slt.u32 s8, $0xFFFFF086  }
0x1c: {  	p1 =	slt.u32 s9, $0xF7A;
	s5 =	simm.s32 @!p2 $0x0  }
0x1d: {  	s5 =	simm.s32 @p1 $0x1;
	p0 =	seq.s32 s7, s2  }
0x1e: {  	s7 =	smul.u32 @!p0 $0xF7A, s2;
	p2 =	seq.s32 @!p0 s5, $0x0  }
0x1f: {  	s9 =	smul.u32 $0xF7A, s1;
	s8 =	simm.s32 @!p0 $0x1BF5;
	p2 =	por !p2, p0  }
0x20: {  	[sflag:s8] =	ssyncset.s32 @!p0 $0xFFFFF086;
	s6 =	sadd.s32 @!p0 s3, s7;
	s7 =	simm.s32 @!p0 $0x108  }
0x21: {  	s3 =	sadd.s32 s3, s9;
	s6 =	sadd.s32 @!p0 $0x88, s6;
	s7 =	simm.s32 @p2 $0x1082  }
0x22: {  	[simem:s7], [sflag:s8] =	dma.local @!p0 [hbm:s6], $0xF7A  }
0x23: {  	s9 =	sor.u32 $0xD0000000, s2;
	s6 =	simm.s32 $0x108;
	_ =	swait.ge @!p0 [sflag:s8], $0x0  }
0x24: {  	s3 =	sadd.s32 $0x88, s3;
	s6 =	simm.s32 @!p1 $0x1082;
	[sflag:s4] =	ssyncset.s32 $0xFFFFF086  }
0x25: {  	[simem:s6], [sflag:s4] =	dma.local [hbm:s3], $0xF7A  }
0x26: {  	[smem:$0x3F94] =	sst s1;
	(tag) =	ssettag s2;
	_ =	strace s9  }
0x27: {  	s1 =	sld [smem:$0x3FA4]  }
0x28: {  	s2 =	sld [smem:$0x3FA5]  }
0x29: {  	s4 =	sld [smem:$0x3FA7]  }
0x2a: {  	p0 =	seq.s32 s5, $0x0;
	s5 =	sld [smem:$0x3FA8]  }
0x2b: {  	s6 =	sld [smem:$0x3FA9]  }
0x2c: {  	s7 =	sld [smem:$0x3FAA]  }
0x2d: {  	s3 =	simm.s32 $0x108;
	s8 =	sld [smem:$0x3FAB]  }
0x2e: {  	s3 =	simm.s32 @!p0 $0x1082;
	s9 =	sld [smem:$0x3FAC]  }
0x2f: {  	lr =	sadd.s32 s0, s3;
	s0 =	sld [smem:$0x3FA3]  }
0x30: {  	s3 =	sld [smem:$0x3FA6]  }
0x31: {  	[smem:$0x3FAF] =	sst s10  }
0x32: {  	s10 =	sld [smem:$0x3FAD];
	_ =	sdelay $0x3  }
0x33: {  	p0 =	seq.s32 s10, $0x1;
	s10 =	sld [smem:$0x3FAF];
	_ =	sdelay $0x3  }
0x34: {  	[smem:$0x3FAF] =	sst s10  }
0x35: {  	s10 =	sld [smem:$0x3FAE];
	_ =	sdelay $0x3  }
0x36: {  	p1 =	seq.s32 s10, $0x1;
	s10 =	sld [smem:$0x3FAF];
	_ =	sdelay $0x3  }
0x37: {  	[smem:$0x3FAF] =	sst s10  }
0x38: {  	s10 =	sld [smem:$0x3FB0]  }
0x39: {  	_ = 	snop;
	(pc) =	sbr.ind lr, $3  }
0x3a: {  	_ = 	snop  }
0x3b: {  	_ = 	snop  }
0x3c: {  	p2 =	seq.s32 s10, $0x1;
	s10 =	sld [smem:$0x3FAF]  }
0x3d: {  	_ =	shalt  }
0x3e: {  	_ =	shalt  }
0x3f: {  	_ =	shalt  }
0x40: {  	_ =	shalt  }
0x41: {  	_ =	shalt  }
0x42: {  	_ =	shalt  }
0x43: {  	_ =	shalt  }
0x44: {  	_ =	shalt  }
0x45: {  	_ =	shalt  }
0x46: {  	_ =	shalt  }
0x47: {  	_ =	shalt  }
0x48: {  	_ =	shalt  }
0x49: {  	_ =	shalt  }
0x4a: {  	_ =	shalt  }
0x4b: {  	_ =	shalt  }
0x4c: {  	_ =	shalt  }
0x4d: {  	_ =	shalt  }
0x4e: {  	_ =	shalt  }
0x4f: {  	_ =	shalt  }
0x50: {  	_ =	shalt  }
0x51: {  	_ =	shalt  }
0x52: {  	_ =	shalt  }
0x53: {  	_ =	shalt  }
0x54: {  	_ =	shalt  }
0x55: {  	_ =	shalt  }
0x56: {  	_ =	shalt  }
0x57: {  	_ =	shalt  }
0x58: {  	_ =	shalt  }
0x59: {  	_ =	shalt  }
0x5a: {  	_ =	shalt  }
0x5b: {  	_ =	shalt  }
0x5c: {  	_ =	shalt  }
0x5d: {  	_ =	shalt  }
0x5e: {  	_ =	shalt  }
0x5f: {  	_ =	shalt  }
0x60: {  	_ =	shalt  }
0x61: {  	_ =	shalt  }
0x62: {  	_ =	shalt  }
0x63: {  	_ =	shalt  }
0x64: {  	_ =	shalt  }
0x65: {  	_ =	shalt  }
0x66: {  	_ =	shalt  }
0x67: {  	_ =	shalt  }
0x68: {  	_ =	shalt  }
0x69: {  	_ =	shalt  }
0x6a: {  	_ =	shalt  }
0x6b: {  	_ =	shalt  }
0x6c: {  	_ =	shalt  }
0x6d: {  	_ =	shalt  }
0x6e: {  	_ =	shalt  }
0x6f: {  	_ =	shalt  }
0x70: {  	_ =	shalt  }
0x71: {  	_ =	shalt  }
0x72: {  	_ =	shalt  }
0x73: {  	_ =	shalt  }
0x74: {  	_ =	shalt  }
0x75: {  	_ =	shalt  }
0x76: {  	_ =	shalt  }
0x77: {  	_ =	shalt  }
0x78: {  	_ =	shalt  }
0x79: {  	_ =	shalt  }
0x7a: {  	_ =	shalt  }
0x7b: {  	_ =	shalt  }
0x7c: {  	_ =	shalt  }
0x7d: {  	_ =	shalt  }
0x7e: {  	_ =	shalt  }
0x7f: {  	_ =	shalt  }
0x80: {  	_ =	shalt  }
0x81: {  	_ =	shalt  }
0x82: {  	_ =	shalt  }
0x83: {  	_ =	shalt  }
0x84: {  	_ =	shalt  }
0x85: {  	_ =	shalt  }
0x86: {  	_ =	shalt  }
0x87: {  	_ =	shalt  }
.Lfunc_end0:
.L_simem_size_0:
called_computation.1_lowered:
.L_overlay_start_0:
0x88: {  	s2 =	sld [smem:$0x3FD9]  }
0x89: {  	s3 =	sld [smem:$0x3FFE];
	_ =	sdelay $0x1  }
0x8a: {  	s1 =	srdreg.scid  }
0x8b: {  	s0 =	sand.u32 $0x1, s1  }
0x8c: {  	s16 =	sshll.u32 s0, $0xA;
	s2 =	sadd.s32 s3, s2  }
0x8d: {  	s2 =	sadd.s32 s2, s16  }
0x8e: {  	[smem:$0x3FBB] =	sst s2  }
0x8f: {  	_ = 	snop  }
0x90: {  	(tm) =	ssettm $0x1  }
0x91: {  	s17 =	sld [smem:$0x3FFB];
	_ =	sdelay $0x3  }
0x92: {  	_ =	strace s17  }
0x93: {  	s2 =	sld [smem:$0x3FFC];
	_ =	sdelay $0x3  }
0x94: {  	_ =	strace s2  }
0x95: {  	s2 =	sld [smem:$0x3FFD];
	_ =	sdelay $0x3  }
0x96: {  	_ =	strace s2  }
0x97: {  	_ =	strace $0x8FFFFFFF  }
0x98: {  	s18 =	sld [smem:$0x3FDB];
	_ =	sdelay $0x1  }
0x99: {  	s19 =	simm.s32 $_scs_section_size  }
0x9a: {  	s4 =	simm.s32 $_size__tile_overlayer_lowered;
	s5 =	simm.s32 $_tile_overlayer_lowered  }
0x9b: {  	s22 =	simm.s32 $0x1BFF;
	s21 =	sshll.u32 s5, $0x1;
	s2 =	sadd.s32 s19, s18  }
0x9c: {  	s6 =	simm.s32 $0x0;
	s20 =	sshll.u32 s4, $0x1;
	s4 =	sadd.s32 s21, s2  }
0x9d: {  	[timem:s6], [sflag:s22] =	dma.local [hbm:s4], s20  }
0x9e: {  	_ =	swait.ge [sflag:s22], s20  }
0x9f: {  	s3 =	ssub.s32 $0x0, s20;
	[sflag:s22] =	ssyncset.done $0x0  }
0xa0: {  	[sflag:s22] =	ssyncadd.s32 s3;
	_ =	sdelay $0x1  }
0xa1: {  	s23 =	simm.s32 $0x1B8B  }
0xa2: {  	_ =	swait.ge [sflag:s23], $0x1  }
0xa3: {  	[sflag:s23] =	ssyncset.done $0x0  }
0xa4: {  	s25 =	simm.s32 $0x1B8E;
	s24 =	sld [smem:$0x3FFE];
	[sflag:s23] =	ssyncadd.s32 $0xFFFFFFFF  }
0xa5: {  	s26 =	simm.s32 $execute0_lowered;
	[smem:$0x3FD2] =	sst s25  }
0xa6: {  	s4 =	sshll.u32 s26, $0x1;
	_ =	strace $0x80000049;
	[dreg:$0x1] =	wrdreg $0xFFFFFFFF  }
0xa7: {  	s28 =	simm.s32 $_size_execute0_lowered;
	s2 =	sadd.s32 s2, s4;
	[dreg:$0x0] =	wrdreg $0x0  }
0xa8: {  	s4 =	sshll.u32 s28, $0x1;
	[dreg:$0x2] =	wrdreg s2  }
0xa9: {  	[dreg:$0x3] =	wrdreg s4  }
0xaa: {  	[dreg:$0x4] =	wrdreg $0xC0  }
0xab: {  	_ =	task [dreg:s6], $0x5FFFF  }
0xac: {  	[dreg:$0x1] =	wrdreg $0xFFFFFFFF  }
0xad: {  	[dreg:$0x0] =	wrdreg $0x60  }
0xae: {  	[dreg:$0x2] =	wrdreg s24  }
0xaf: {  	[dreg:$0x3] =	wrdreg $0xA8000  }
0xb0: {  	[dreg:$0x4] =	wrdreg $0x9  }
0xb1: {  	_ =	task.clear_ibuf [dreg:s6], $0x5FFFF;
	_ =	strace $0x90000049  }
0xb2: {  	s29 =	simm.s32 $0x9;
	_ =	strace $0x8000004B  }
0xb3: {  	_ =	swait.ge [sflag:s29], $0x1  }
0xb4: {  	[sflag:s29] =	ssyncadd.s32 $0xFFFFFFFF  }
0xb5: {  	_ =	strace $0x9000004B  }
0xb6: {  	_ =	sfence  }
0xb7: {  	s30 =	sld [smem:$0x0];
	_ =	sdelay $0x2  }
0xb8: {  	s31 =	sshll.u32 s1, $0xD;
	s1 =	sshrl.u32 s1, $0x2  }
0xb9: {  	s3 =	sand.u32 $0x4000, s31;
	s1 =	sadd.s32 s1, s30  }
0xba: {  	s0 =	sor.u32 s3, s0;
	s1 =	sshll.u32 s1, $0x11  }
0xbb: {  	s0 =	sor.u32 s1, s0  }
0xbc: {  	s0 =	sadd.s32 $0x8F2B, s0  }
0xbd: {  	[sflag:s0] =	ssyncadd.remote.s32 $0x1  }
0xbe: {  	_ =	sfence.sel $0xFFFF  }
0xbf: {  	[dreg:$0x0] =	wrdreg $0xFFFFFFFF;
	(pc) =	sbr.abs _section_cstart, $3  }
0xc0: {  	[dreg:$0x1] =	wrdreg $0xFFFFFFFF  }
0xc1: {  	_ =	task.clear_ibuf [dreg:s6], $0x2FFFF;
	_ =	strace $0x9FFFFFFF  }
0xc2: {  	(tm) =	ssettm $0x7FFFFFFF  }
0xc3: {  	_ =	shalt  }
tec
execute0_lowered:
.L_overlay_start_1:
0x0: {  	(tag) =	ssettag $0x1  }
0x1: {  	s5 =	rddreg [dreg:$0x0]  }
0x2: {  	s2 =	rddreg [dreg:$0x1]  }
0x3: {  	s0 =	rddreg [dreg:$0x2];
	s4 =	srdreg.scid  }
0x4: {  	s3 =	simm.s32 $0x0;
	s1 =	stileid.u32;
	s14 =	simm.s32 $0x50  }
0x5: {  	s15 =	simm.s32 $0x8000;
	s16 =	simm.s32 $0x0;
	s6 =	sand.u32 $0x1, s4  }
0x6: {  	s25 =	sshll.u32 s1, $0xC;
	s8 =	smul.u32 $0x14000, s1;
	[smem:$0x7FF] =	sst s3  }
0x7: {  	s28 =	smul.u32 $0x50000, s1;
	s31 =	sshll.u32 s1, $0x6;
	s7 =	sshll.u32 s6, $0xB  }
0x8: {  	s26 =	smul.u32 $0x140000, s6;
	_ =	strace $0x8000004A;
	s6 =	ssub.s32 $0x2, s6  }
0x9: {  	s4 =	sor.u32 s7, s25;
	s10 =	sshrl.u32 s8, $0x3;
	s29 =	sshrl.u32 s6, $0x1  }
0xa: {  	s30 =	sshrl.u32 s28, $0x2;
	s9 =	sadd.s32 s4, s5;
	s4 =	sadd.s32 $0x3B400, s5  }
0xb: {  	s7 =	sadd.s32 s8, s26;
	s10 =	sadd.s32 s10, s5;
	s12 =	ssub.s32 s6, s29  }
0xc: {  	s13 =	sadd.s32 s30, s2;
	s6 =	sor.u32 $0x1C01, s31;
	s7 =	sshrl.u32 s7, $0x3  }
0xd: {  	s8 =	sadd.s32 $0x3400, s9;
	s11 =	sadd.s32 s7, s5;
	s5 =	sadd.s32 $0x13400, s10  }
0xe: {  	s7 =	sadd.s32 $0x8BA00, s9;
	s10 =	smax.u32 s12, $0x1;
	s12 =	simm.s32 $0x1  }
0xf: {  	s9 =	sadd.s32 $0x9BA00, s11;
	s11 =	sshrl.u32 s13, $0x3;
	s13 =	simm.s32 $0x4000  }
.LBB2_1:
0x10: {  	[spmem:s11], [sflag:s6] =	dma.local [hbm:s5], $0x2800  }
0x11: {  	_ =	swait.ge [sflag:s12], $0x2800  }
0x12: {  	[sflag:s12] =	ssyncset.done $0x0  }
0x13: {  	[sflag:s12] =	ssyncadd.s32 $0xFFFFD800  }
0x14: {  	[tilespmem:s3], [sflag:$0x1] =	stream.linear.gather [hbm4b:s7+s3], $0x3E80, $0x38;
	[tilespmem:$0x1E800] =	vst v63  }
0x15: {  	_ =	swait.ge [sflag:s12], $0x3E80  }
0x16: {  	[sflag:s12] =	ssyncset.done $0x0  }
0x17: {  	[sflag:s12] =	ssyncadd.s32 $0xFFFFC180  }
0x18: {  	[tilespmem:s13], [sflag:$0x1] =	stream.linear.gather [hbm4b:s8+s3], $0x3E80, $0x38;
	[tilespmem:$0x1E800] =	vst v63  }
0x19: {  	_ =	swait.ge [sflag:s12], $0x3E80  }
0x1a: {  	[sflag:s12] =	ssyncset.done $0x0  }
0x1b: {  	[sflag:s12] =	ssyncadd.s32 $0xFFFFC180  }
0x1c: {  	s17 =	simm.s32 $0x0;
	[bflag:$0x0] =	sbarrier.arrive $0xFFFF  }
0x1d: {  	[tilespmem:s15], [sflag:$0x1] =	stream.indirect.gather [hbm4b:s4+s14], $0x80, s17, s14, $0xb8;
	[tilespmem:$0x1E800] =	vst v63  }
0x1e: {  	_ =	swait.ge [sflag:s12], $0x2800  }
0x1f: {  	[sflag:s12] =	ssyncset.done $0x0  }
0x20: {  	s31 =	simm.s32 $0x4000;
	[sflag:s12] =	ssyncadd.s32 $0xFFFFD800  }
0x21: {  	[spmem:s2] =	stream.indirect.scatter.add.f32 [tilespmem:s15], [sflag:$0x1], $0x80, s31, s14, $0xb8;
	[tilespmem:$0x1E800] =	vst v63  }
0x22: {  	_ =	swait.ge [sflag:s12], $0x2800  }
0x23: {  	s18 =	simm.s32 $0x400;
	s17 =	simm.s32 $0x200;
	[sflag:s12] =	ssyncset.done $0x0  }
.LBB2_2:
0x24: {  	s19 =	sshra.s32 s17, $0x2  }
0x25: {  	[sflag:s12] =	ssyncadd.s32 $0xFFFFD800;
	s17 =	smov.u32 s18;
	s20 =	sadd.s32 $0x200, s18  }
0x26: {  	[tilespmem:s15], [sflag:$0x1] =	stream.indirect.gather [hbm4b:s4+s14], $0x80, s19, s14, $0xb8;
	[tilespmem:$0x1E800] =	vst v63  }
0x27: {  	p0 =	sne.s32 s18, $0xF800;
	_ =	swait.ge [sflag:s12], $0x2800  }
.Ltmp0:
0x28: {  	[sflag:s12] =	ssyncset.done $0x0;
	(pc) =	sbr.rel @p0 .LBB2_2-.Ltmp0, $4  }
0x29: {  	s18 =	sadd.s32 $0x4000, s19;
	[sflag:s12] =	ssyncadd.s32 $0xFFFFD800  }
0x2a: {  	[spmem:s2] =	stream.indirect.scatter.add.f32 [tilespmem:s15], [sflag:$0x1], $0x80, s18, s14, $0xb8;
	[tilespmem:$0x1E800] =	vst v63  }
0x2b: {  	_ =	swait.ge [sflag:s12], $0x2800  }
0x2c: {  	s18 =	smov.u32 s20;
	[sflag:s12] =	ssyncset.done $0x0  }
0x2d: {  	s17 =	sshra.s32 s17, $0x2;
	[sflag:s12] =	ssyncadd.s32 $0xFFFFD800  }
0x2e: {  	[tilespmem:s15], [sflag:$0x1] =	stream.indirect.gather [hbm4b:s4+s14], $0x80, s17, s14, $0xb8;
	[tilespmem:$0x1E800] =	vst v63  }
0x2f: {  	_ =	swait.ge [sflag:s12], $0x2800  }
0x30: {  	[sflag:s12] =	ssyncset.done $0x0  }
0x31: {  	s17 =	sadd.s32 $0x4000, s17;
	[sflag:s12] =	ssyncadd.s32 $0xFFFFD800  }
0x32: {  	[spmem:s2] =	stream.indirect.scatter.add.f32 [tilespmem:s15], [sflag:$0x1], $0x80, s17, s14, $0xb8;
	[tilespmem:$0x1E800] =	vst v63  }
0x33: {  	_ =	swait.ge [sflag:s12], $0x2800  }
0x34: {  	s16 =	sadd.s32 $0x1, s16;
	[sflag:s12] =	ssyncset.done $0x0  }
0x35: {  	p0 =	sne.s32 s16, s10;
	[sflag:s12] =	ssyncadd.s32 $0xFFFFD800  }
.Ltmp1:
0x36: {  	[bflag:$0x0] =	sbarrier.arrive $0xFFFF;
	(pc) =	sbr.rel @p0 .LBB2_1-.Ltmp1, $4  }
0x37: {  	[hbm:s9], [sflag:s6] =	dma.local [spmem:s11], $0x2800  }
0x38: {  	_ =	swait.ge [sflag:s12], $0x2800  }
0x39: {  	[sflag:s12] =	ssyncset.done $0x0  }
0x3a: {  	[sflag:s12] =	ssyncadd.s32 $0xFFFFD800  }
0x3b: {  	_ =	sfence.sel $0x180000  }
0x3c: {  	[bflag:$0x0] =	sbarrier.arrive $0xFFFF  }
0x3d: {  	p0 =	sne.s32 s1, $0x0;
	_ =	strace $0x9000004A  }
0x3e: {  	s0 =	sadd.s32 @!p0 $0x100000, s0;
	[bflag:$0x2] =	sbarrier.arrive $0xFFFF  }
0x3f: {  	[sflag:s0] =	ssyncadd.tile.s32 @!p0 $0x1;
	_ =	shalt  }
.Lfunc_end2:
_tile_overlayer_lowered:
.L_overlay_start_2:
0x40: {  	(tag) =	ssettag $0x2  }
0x41: {  	s0 =	rddreg [dreg:$0x0];
	s2 =	stileid.u32  }
0x42: {  	s1 =	rddreg [dreg:$0x1];
	p0 =	sne.s32 s2, $0x0  }
0x43: {  	s3 =	rddreg [dreg:$0x2];
	[bflag:$0x3] =	sbarrier.arrive $0xFFFF;
	s2 =	simm.s32 @!p0 $0x1C01  }
0x44: {  	[timem:s3], [sflag:s2] =	dma.local @!p0 [hbm:s0], s1  }
0x45: {  	s0 =	simm.s32 @!p0 $0x1  }
0x46: {  	_ =	swait.ge @!p0 [sflag:s0], s1  }
0x47: {  	s1 =	ssub.s32 @!p0 $0x0, s1;
	[sflag:s0] =	ssyncset.done @!p0 $0x0  }
0x48: {  	[sflag:s0] =	ssyncadd.s32 @!p0 s1  }
0x49: {  	[bflag:$0x3] =	sbarrier.arrive $0xFFFF  }
0x4a: {  	_ =	shalt  }

// kernel: kernel.14.cloned.1.call-start
scs
__scs_entry_jumppad:
0x0: {  	(pc) =	sbr.rel $0x88, $3  }
0x1: {  	(tag) =	ssettag $0x0;
	lr =	simm.s32 $0x1  }
0x2: {  	[smem:$0x3F94] =	sst lr;
	_ =	strace $0xD0000000  }
0x3: {  	_ = 	snop  }
0x4: {  	_ = 	snop  }
0x5: {  	_ = 	snop  }
0x6: {  	_ = 	snop  }
0x7: {  	_ = 	snop  }
__scs_overlays_trampoline_lowered:
0x8: {  	[smem:$0x3FA3] =	sst s0  }
0x9: {  	[smem:$0x3FA4] =	sst s1  }
0xa: {  	[smem:$0x3FA5] =	sst s2  }
0xb: {  	[smem:$0x3FA6] =	sst s3  }
0xc: {  	[smem:$0x3FA7] =	sst s4  }
0xd: {  	[smem:$0x3FA8] =	sst s5  }
0xe: {  	[smem:$0x3FA9] =	sst s6  }
0xf: {  	[smem:$0x3FAA] =	sst s7  }
0x10: {  	[smem:$0x3FAB] =	sst s8  }
0x11: {  	[smem:$0x3FAC] =	sst s9;
	s0 =	simm.s32 @!p0 $0x0  }
0x12: {  	s1 =	sld [smem:$0x3F92];
	s0 =	simm.s32 @p0 $0x1  }
0x13: {  	[smem:$0x3FAD] =	sst s0;
	s0 =	simm.s32 @!p1 $0x0  }
0x14: {  	s2 =	sld [smem:$0x3F91];
	s0 =	simm.s32 @p1 $0x1  }
0x15: {  	[smem:$0x3FAE] =	sst s0;
	s0 =	simm.s32 @!p2 $0x0  }
0x16: {  	s3 =	sld [smem:$0x3FDB];
	s0 =	simm.s32 @p2 $0x1  }
0x17: {  	s4 =	simm.s32 $0x1BF5;
	[smem:$0x3FB0] =	sst s0  }
0x18: {  	s0 =	sld [smem:$0x3F93];
	_ =	swait.ge [sflag:s4], $0x0  }
0x19: {  	s7 =	sld [smem:$0x3F94]  }
0x1a: {  	s8 =	sadd.s32 $0xFFFFE003, lr  }
0x1b: {  	s9 =	sadd.s32 $0xFFFFFEF7, lr;
	s5 =	simm.s32 $0xFFFFFFFF;
	p2 =	slt.u32 s8, $0xFFFFF086  }
0x1c: {  	p1 =	slt.u32 s9, $0xF7A;
	s5 =	simm.s32 @!p2 $0x0  }
0x1d: {  	s5 =	simm.s32 @p1 $0x1;
	p0 =	seq.s32 s7, s2  }
0x1e: {  	s7 =	smul.u32 @!p0 $0xF7A, s2;
	p2 =	seq.s32 @!p0 s5, $0x0  }
0x1f: {  	s9 =	smul.u32 $0xF7A, s1;
	s8 =	simm.s32 @!p0 $0x1BF5;
	p2 =	por !p2, p0  }
0x20: {  	[sflag:s8] =	ssyncset.s32 @!p0 $0xFFFFF086;
	s6 =	sadd.s32 @!p0 s3, s7;
	s7 =	simm.s32 @!p0 $0x108  }
0x21: {  	s3 =	sadd.s32 s3, s9;
	s6 =	sadd.s32 @!p0 $0x88, s6;
	s7 =	simm.s32 @p2 $0x1082  }
0x22: {  	[simem:s7], [sflag:s8] =	dma.local @!p0 [hbm:s6], $0xF7A  }
0x23: {  	s9 =	sor.u32 $0xD0000000, s2;
	s6 =	simm.s32 $0x108;
	_ =	swait.ge @!p0 [sflag:s8], $0x0  }
0x24: {  	s3 =	sadd.s32 $0x88, s3;
	s6 =	simm.s32 @!p1 $0x1082;
	[sflag:s4] =	ssyncset.s32 $0xFFFFF086  }
0x25: {  	[simem:s6], [sflag:s4] =	dma.local [hbm:s3], $0xF7A  }
0x26: {  	[smem:$0x3F94] =	sst s1;
	(tag) =	ssettag s2;
	_ =	strace s9  }
0x27: {  	s1 =	sld [smem:$0x3FA4]  }
0x28: {  	s2 =	sld [smem:$0x3FA5]  }
0x29: {  	s4 =	sld [smem:$0x3FA7]  }
0x2a: {  	p0 =	seq.s32 s5, $0x0;
	s5 =	sld [smem:$0x3FA8]  }
0x2b: {  	s6 =	sld [smem:$0x3FA9]  }
0x2c: {  	s7 =	sld [smem:$0x3FAA]  }
0x2d: {  	s3 =	simm.s32 $0x108;
	s8 =	sld [smem:$0x3FAB]  }
0x2e: {  	s3 =	simm.s32 @!p0 $0x1082;
	s9 =	sld [smem:$0x3FAC]  }
0x2f: {  	lr =	sadd.s32 s0, s3;
	s0 =	sld [smem:$0x3FA3]  }
0x30: {  	s3 =	sld [smem:$0x3FA6]  }
0x31: {  	[smem:$0x3FAF] =	sst s10  }
0x32: {  	s10 =	sld [smem:$0x3FAD];
	_ =	sdelay $0x3  }
0x33: {  	p0 =	seq.s32 s10, $0x1;
	s10 =	sld [smem:$0x3FAF];
	_ =	sdelay $0x3  }
0x34: {  	[smem:$0x3FAF] =	sst s10  }
0x35: {  	s10 =	sld [smem:$0x3FAE];
	_ =	sdelay $0x3  }
0x36: {  	p1 =	seq.s32 s10, $0x1;
	s10 =	sld [smem:$0x3FAF];
	_ =	sdelay $0x3  }
0x37: {  	[smem:$0x3FAF] =	sst s10  }
0x38: {  	s10 =	sld [smem:$0x3FB0]  }
0x39: {  	_ = 	snop;
	(pc) =	sbr.ind lr, $3  }
0x3a: {  	_ = 	snop  }
0x3b: {  	_ = 	snop  }
0x3c: {  	p2 =	seq.s32 s10, $0x1;
	s10 =	sld [smem:$0x3FAF]  }
0x3d: {  	_ =	shalt  }
0x3e: {  	_ =	shalt  }
0x3f: {  	_ =	shalt  }
0x40: {  	_ =	shalt  }
0x41: {  	_ =	shalt  }
0x42: {  	_ =	shalt  }
0x43: {  	_ =	shalt  }
0x44: {  	_ =	shalt  }
0x45: {  	_ =	shalt  }
0x46: {  	_ =	shalt  }
0x47: {  	_ =	shalt  }
0x48: {  	_ =	shalt  }
0x49: {  	_ =	shalt  }
0x4a: {  	_ =	shalt  }
0x4b: {  	_ =	shalt  }
0x4c: {  	_ =	shalt  }
0x4d: {  	_ =	shalt  }
0x4e: {  	_ =	shalt  }
0x4f: {  	_ =	shalt  }
0x50: {  	_ =	shalt  }
0x51: {  	_ =	shalt  }
0x52: {  	_ =	shalt  }
0x53: {  	_ =	shalt  }
0x54: {  	_ =	shalt  }
0x55: {  	_ =	shalt  }
0x56: {  	_ =	shalt  }
0x57: {  	_ =	shalt  }
0x58: {  	_ =	shalt  }
0x59: {  	_ =	shalt  }
0x5a: {  	_ =	shalt  }
0x5b: {  	_ =	shalt  }
0x5c: {  	_ =	shalt  }
0x5d: {  	_ =	shalt  }
0x5e: {  	_ =	shalt  }
0x5f: {  	_ =	shalt  }
0x60: {  	_ =	shalt  }
0x61: {  	_ =	shalt  }
0x62: {  	_ =	shalt  }
0x63: {  	_ =	shalt  }
0x64: {  	_ =	shalt  }
0x65: {  	_ =	shalt  }
0x66: {  	_ =	shalt  }
0x67: {  	_ =	shalt  }
0x68: {  	_ =	shalt  }
0x69: {  	_ =	shalt  }
0x6a: {  	_ =	shalt  }
0x6b: {  	_ =	shalt  }
0x6c: {  	_ =	shalt  }
0x6d: {  	_ =	shalt  }
0x6e: {  	_ =	shalt  }
0x6f: {  	_ =	shalt  }
0x70: {  	_ =	shalt  }
0x71: {  	_ =	shalt  }
0x72: {  	_ =	shalt  }
0x73: {  	_ =	shalt  }
0x74: {  	_ =	shalt  }
0x75: {  	_ =	shalt  }
0x76: {  	_ =	shalt  }
0x77: {  	_ =	shalt  }
0x78: {  	_ =	shalt  }
0x79: {  	_ =	shalt  }
0x7a: {  	_ =	shalt  }
0x7b: {  	_ =	shalt  }
0x7c: {  	_ =	shalt  }
0x7d: {  	_ =	shalt  }
0x7e: {  	_ =	shalt  }
0x7f: {  	_ =	shalt  }
0x80: {  	_ =	shalt  }
0x81: {  	_ =	shalt  }
0x82: {  	_ =	shalt  }
0x83: {  	_ =	shalt  }
0x84: {  	_ =	shalt  }
0x85: {  	_ =	shalt  }
0x86: {  	_ =	shalt  }
0x87: {  	_ =	shalt  }
.Lfunc_end0:
.L_simem_size_0:
called_computation.2_lowered:
.L_overlay_start_0:
0x88: {  	s2 =	sld [smem:$0x3FD9]  }
0x89: {  	s3 =	sld [smem:$0x3FFE];
	_ =	sdelay $0x1  }
0x8a: {  	s1 =	srdreg.scid  }
0x8b: {  	s0 =	sand.u32 $0x1, s1  }
0x8c: {  	s16 =	sshll.u32 s0, $0xA;
	s2 =	sadd.s32 s3, s2  }
0x8d: {  	s2 =	sadd.s32 s2, s16  }
0x8e: {  	[smem:$0x3FBB] =	sst s2  }
0x8f: {  	_ = 	snop  }
0x90: {  	(tm) =	ssettm $0x1  }
0x91: {  	s17 =	sld [smem:$0x3FFB];
	_ =	sdelay $0x3  }
0x92: {  	_ =	strace s17  }
0x93: {  	s2 =	sld [smem:$0x3FFC];
	_ =	sdelay $0x3  }
0x94: {  	_ =	strace s2  }
0x95: {  	s2 =	sld [smem:$0x3FFD];
	_ =	sdelay $0x3  }
0x96: {  	_ =	strace s2  }
0x97: {  	_ =	strace $0x8FFFFFFF  }
0x98: {  	s18 =	sld [smem:$0x3FDB];
	_ =	sdelay $0x1  }
0x99: {  	s19 =	simm.s32 $_scs_section_size  }
0x9a: {  	s4 =	simm.s32 $_size__tile_overlayer_lowered;
	s5 =	simm.s32 $_tile_overlayer_lowered  }
0x9b: {  	s22 =	simm.s32 $0x1BFF;
	s21 =	sshll.u32 s5, $0x1;
	s2 =	sadd.s32 s19, s18  }
0x9c: {  	s6 =	simm.s32 $0x0;
	s20 =	sshll.u32 s4, $0x1;
	s4 =	sadd.s32 s21, s2  }
0x9d: {  	[timem:s6], [sflag:s22] =	dma.local [hbm:s4], s20  }
0x9e: {  	_ =	swait.ge [sflag:s22], s20  }
0x9f: {  	s3 =	ssub.s32 $0x0, s20;
	[sflag:s22] =	ssyncset.done $0x0  }
0xa0: {  	[sflag:s22] =	ssyncadd.s32 s3;
	_ =	sdelay $0x1  }
0xa1: {  	s23 =	simm.s32 $0x1B8B  }
0xa2: {  	_ =	swait.ge [sflag:s23], $0x1  }
0xa3: {  	[sflag:s23] =	ssyncset.done $0x0  }
0xa4: {  	s25 =	simm.s32 $0x1B8E;
	s24 =	sld [smem:$0x3FFE];
	[sflag:s23] =	ssyncadd.s32 $0xFFFFFFFF  }
0xa5: {  	s26 =	simm.s32 $execute0_lowered;
	[smem:$0x3FD2] =	sst s25  }
0xa6: {  	s4 =	sshll.u32 s26, $0x1;
	_ =	strace $0x8000004C;
	[dreg:$0x1] =	wrdreg $0xFFFFFFFF  }
0xa7: {  	s28 =	simm.s32 $_size_execute0_lowered;
	s2 =	sadd.s32 s2, s4;
	[dreg:$0x0] =	wrdreg $0x0  }
0xa8: {  	s4 =	sshll.u32 s28, $0x1;
	[dreg:$0x2] =	wrdreg s2  }
0xa9: {  	[dreg:$0x3] =	wrdreg s4  }
0xaa: {  	[dreg:$0x4] =	wrdreg $0xC0  }
0xab: {  	_ =	task [dreg:s6], $0x5FFFF  }
0xac: {  	[dreg:$0x1] =	wrdreg $0xFFFFFFFF  }
0xad: {  	[dreg:$0x0] =	wrdreg $0x60  }
0xae: {  	[dreg:$0x2] =	wrdreg s24  }
0xaf: {  	[dreg:$0x3] =	wrdreg $0xA8000  }
0xb0: {  	[dreg:$0x4] =	wrdreg $0x9  }
0xb1: {  	_ =	task.clear_ibuf [dreg:s6], $0x5FFFF;
	_ =	strace $0x9000004C  }
0xb2: {  	s29 =	simm.s32 $0x9;
	_ =	strace $0x8000004E  }
0xb3: {  	_ =	swait.ge [sflag:s29], $0x1  }
0xb4: {  	[sflag:s29] =	ssyncadd.s32 $0xFFFFFFFF  }
0xb5: {  	_ =	strace $0x9000004E  }
0xb6: {  	_ =	sfence  }
0xb7: {  	s30 =	sld [smem:$0x0];
	_ =	sdelay $0x2  }
0xb8: {  	s31 =	sshll.u32 s1, $0xD;
	s1 =	sshrl.u32 s1, $0x2  }
0xb9: {  	s3 =	sand.u32 $0x4000, s31;
	s1 =	sadd.s32 s1, s30  }
0xba: {  	s0 =	sor.u32 s3, s0;
	s1 =	sshll.u32 s1, $0x11  }
0xbb: {  	s0 =	sor.u32 s1, s0  }
0xbc: {  	s0 =	sadd.s32 $0x8F2B, s0  }
0xbd: {  	[sflag:s0] =	ssyncadd.remote.s32 $0x1  }
0xbe: {  	_ =	sfence.sel $0xFFFF  }
0xbf: {  	[dreg:$0x0] =	wrdreg $0xFFFFFFFF;
	(pc) =	sbr.abs _section_cstart, $3  }
0xc0: {  	[dreg:$0x1] =	wrdreg $0xFFFFFFFF  }
0xc1: {  	_ =	task.clear_ibuf [dreg:s6], $0x2FFFF;
	_ =	strace $0x9FFFFFFF  }
0xc2: {  	(tm) =	ssettm $0x7FFFFFFF  }
0xc3: {  	_ =	shalt  }
tec
execute0_lowered:
.L_overlay_start_1:
0x0: {  	(tag) =	ssettag $0x1  }
0x1: {  	s5 =	rddreg [dreg:$0x0]  }
0x2: {  	s2 =	rddreg [dreg:$0x1]  }
0x3: {  	s0 =	rddreg [dreg:$0x2];
	s4 =	srdreg.scid  }
0x4: {  	s3 =	simm.s32 $0x0;
	s1 =	stileid.u32;
	s14 =	simm.s32 $0x50  }
0x5: {  	s15 =	simm.s32 $0x8000;
	s16 =	simm.s32 $0x0;
	s6 =	sand.u32 $0x1, s4  }
0x6: {  	s25 =	sshll.u32 s1, $0xC;
	s8 =	smul.u32 $0x14000, s1;
	[smem:$0x7FF] =	sst s3  }
0x7: {  	s28 =	smul.u32 $0x50000, s1;
	s31 =	sshll.u32 s1, $0x6;
	s7 =	sshll.u32 s6, $0xB  }
0x8: {  	s26 =	smul.u32 $0x140000, s6;
	_ =	strace $0x8000004D;
	s6 =	ssub.s32 $0x2, s6  }
0x9: {  	s4 =	sor.u32 s7, s25;
	s10 =	sshrl.u32 s8, $0x3;
	s29 =	sshrl.u32 s6, $0x1  }
0xa: {  	s30 =	sshrl.u32 s28, $0x2;
	s9 =	sadd.s32 s4, s5;
	s4 =	sadd.s32 $0x3B400, s5  }
0xb: {  	s7 =	sadd.s32 s8, s26;
	s10 =	sadd.s32 s10, s5;
	s12 =	ssub.s32 s6, s29  }
0xc: {  	s13 =	sadd.s32 s30, s2;
	s6 =	sor.u32 $0x1C01, s31;
	s7 =	sshrl.u32 s7, $0x3  }
0xd: {  	s8 =	sadd.s32 $0x3400, s9;
	s11 =	sadd.s32 s7, s5;
	s5 =	sadd.s32 $0x13400, s10  }
0xe: {  	s7 =	sadd.s32 $0x8BA00, s9;
	s10 =	smax.u32 s12, $0x1;
	s12 =	simm.s32 $0x1  }
0xf: {  	s9 =	sadd.s32 $0x9BA00, s11;
	s11 =	sshrl.u32 s13, $0x3;
	s13 =	simm.s32 $0x4000  }
.LBB2_1:
0x10: {  	[spmem:s11], [sflag:s6] =	dma.local [hbm:s5], $0x2800  }
0x11: {  	_ =	swait.ge [sflag:s12], $0x2800  }
0x12: {  	[sflag:s12] =	ssyncset.done $0x0  }
0x13: {  	[sflag:s12] =	ssyncadd.s32 $0xFFFFD800  }
0x14: {  	[tilespmem:s3], [sflag:$0x1] =	stream.linear.gather [hbm4b:s7+s3], $0x3E80, $0x38;
	[tilespmem:$0x1E800] =	vst v63  }
0x15: {  	_ =	swait.ge [sflag:s12], $0x3E80  }
0x16: {  	[sflag:s12] =	ssyncset.done $0x0  }
0x17: {  	[sflag:s12] =	ssyncadd.s32 $0xFFFFC180  }
0x18: {  	[tilespmem:s13], [sflag:$0x1] =	stream.linear.gather [hbm4b:s8+s3], $0x3E80, $0x38;
	[tilespmem:$0x1E800] =	vst v63  }
0x19: {  	_ =	swait.ge [sflag:s12], $0x3E80  }
0x1a: {  	[sflag:s12] =	ssyncset.done $0x0  }
0x1b: {  	[sflag:s12] =	ssyncadd.s32 $0xFFFFC180  }
0x1c: {  	s17 =	simm.s32 $0x0;
	[bflag:$0x0] =	sbarrier.arrive $0xFFFF  }
0x1d: {  	[tilespmem:s15], [sflag:$0x1] =	stream.indirect.gather [hbm4b:s4+s14], $0x80, s17, s14, $0xb8;
	[tilespmem:$0x1E800] =	vst v63  }
0x1e: {  	_ =	swait.ge [sflag:s12], $0x2800  }
0x1f: {  	[sflag:s12] =	ssyncset.done $0x0  }
0x20: {  	s31 =	simm.s32 $0x4000;
	[sflag:s12] =	ssyncadd.s32 $0xFFFFD800  }
0x21: {  	[spmem:s2] =	stream.indirect.scatter.add.f32 [tilespmem:s15], [sflag:$0x1], $0x80, s31, s14, $0xb8;
	[tilespmem:$0x1E800] =	vst v63  }
0x22: {  	_ =	swait.ge [sflag:s12], $0x2800  }
0x23: {  	s18 =	simm.s32 $0x400;
	s17 =	simm.s32 $0x200;
	[sflag:s12] =	ssyncset.done $0x0  }
.LBB2_2:
0x24: {  	s19 =	sshra.s32 s17, $0x2  }
0x25: {  	[sflag:s12] =	ssyncadd.s32 $0xFFFFD800;
	s17 =	smov.u32 s18;
	s20 =	sadd.s32 $0x200, s18  }
0x26: {  	[tilespmem:s15], [sflag:$0x1] =	stream.indirect.gather [hbm4b:s4+s14], $0x80, s19, s14, $0xb8;
	[tilespmem:$0x1E800] =	vst v63  }
0x27: {  	p0 =	sne.s32 s18, $0xF800;
	_ =	swait.ge [sflag:s12], $0x2800  }
.Ltmp0:
0x28: {  	[sflag:s12] =	ssyncset.done $0x0;
	(pc) =	sbr.rel @p0 .LBB2_2-.Ltmp0, $4  }
0x29: {  	s18 =	sadd.s32 $0x4000, s19;
	[sflag:s12] =	ssyncadd.s32 $0xFFFFD800  }
0x2a: {  	[spmem:s2] =	stream.indirect.scatter.add.f32 [tilespmem:s15], [sflag:$0x1], $0x80, s18, s14, $0xb8;
	[tilespmem:$0x1E800] =	vst v63  }
0x2b: {  	_ =	swait.ge [sflag:s12], $0x2800  }
0x2c: {  	s18 =	smov.u32 s20;
	[sflag:s12] =	ssyncset.done $0x0  }
0x2d: {  	s17 =	sshra.s32 s17, $0x2;
	[sflag:s12] =	ssyncadd.s32 $0xFFFFD800  }
0x2e: {  	[tilespmem:s15], [sflag:$0x1] =	stream.indirect.gather [hbm4b:s4+s14], $0x80, s17, s14, $0xb8;
	[tilespmem:$0x1E800] =	vst v63  }
0x2f: {  	_ =	swait.ge [sflag:s12], $0x2800  }
0x30: {  	[sflag:s12] =	ssyncset.done $0x0  }
0x31: {  	s17 =	sadd.s32 $0x4000, s17;
	[sflag:s12] =	ssyncadd.s32 $0xFFFFD800  }
0x32: {  	[spmem:s2] =	stream.indirect.scatter.add.f32 [tilespmem:s15], [sflag:$0x1], $0x80, s17, s14, $0xb8;
	[tilespmem:$0x1E800] =	vst v63  }
0x33: {  	_ =	swait.ge [sflag:s12], $0x2800  }
0x34: {  	s16 =	sadd.s32 $0x1, s16;
	[sflag:s12] =	ssyncset.done $0x0  }
0x35: {  	p0 =	sne.s32 s16, s10;
	[sflag:s12] =	ssyncadd.s32 $0xFFFFD800  }
.Ltmp1:
0x36: {  	[bflag:$0x0] =	sbarrier.arrive $0xFFFF;
	(pc) =	sbr.rel @p0 .LBB2_1-.Ltmp1, $4  }
0x37: {  	[hbm:s9], [sflag:s6] =	dma.local [spmem:s11], $0x2800  }
0x38: {  	_ =	swait.ge [sflag:s12], $0x2800  }
0x39: {  	[sflag:s12] =	ssyncset.done $0x0  }
0x3a: {  	[sflag:s12] =	ssyncadd.s32 $0xFFFFD800  }
0x3b: {  	_ =	sfence.sel $0x180000  }
0x3c: {  	[bflag:$0x0] =	sbarrier.arrive $0xFFFF  }
0x3d: {  	p0 =	sne.s32 s1, $0x0;
	_ =	strace $0x9000004D  }
0x3e: {  	s0 =	sadd.s32 @!p0 $0x100000, s0;
	[bflag:$0x2] =	sbarrier.arrive $0xFFFF  }
0x3f: {  	[sflag:s0] =	ssyncadd.tile.s32 @!p0 $0x1;
	_ =	shalt  }
.Lfunc_end2:
_tile_overlayer_lowered:
.L_overlay_start_2:
0x40: {  	(tag) =	ssettag $0x2  }
0x41: {  	s0 =	rddreg [dreg:$0x0];
	s2 =	stileid.u32  }
0x42: {  	s1 =	rddreg [dreg:$0x1];
	p0 =	sne.s32 s2, $0x0  }
0x43: {  	s3 =	rddreg [dreg:$0x2];
	[bflag:$0x3] =	sbarrier.arrive $0xFFFF;
	s2 =	simm.s32 @!p0 $0x1C01  }
0x44: {  	[timem:s3], [sflag:s2] =	dma.local @!p0 [hbm:s0], s1  }
0x45: {  	s0 =	simm.s32 @!p0 $0x1  }
0x46: {  	_ =	swait.ge @!p0 [sflag:s0], s1  }
0x47: {  	s1 =	ssub.s32 @!p0 $0x0, s1;
	[sflag:s0] =	ssyncset.done @!p0 $0x0  }
0x48: {  	[sflag:s0] =	ssyncadd.s32 @!p0 s1  }
0x49: {  	[bflag:$0x3] =	sbarrier.arrive $0xFFFF  }
0x4a: {  	_ =	shalt  }

// kernel: kernel.8.cloned.1.call-start
scs
__scs_entry_jumppad:
0x0: {  	(pc) =	sbr.rel $0x88, $3  }
0x1: {  	(tag) =	ssettag $0x0;
	lr =	simm.s32 $0x1  }
0x2: {  	[smem:$0x3F94] =	sst lr;
	_ =	strace $0xD0000000  }
0x3: {  	_ = 	snop  }
0x4: {  	_ = 	snop  }
0x5: {  	_ = 	snop  }
0x6: {  	_ = 	snop  }
0x7: {  	_ = 	snop  }
__scs_overlays_trampoline_lowered:
0x8: {  	[smem:$0x3FA3] =	sst s0  }
0x9: {  	[smem:$0x3FA4] =	sst s1  }
0xa: {  	[smem:$0x3FA5] =	sst s2  }
0xb: {  	[smem:$0x3FA6] =	sst s3  }
0xc: {  	[smem:$0x3FA7] =	sst s4  }
0xd: {  	[smem:$0x3FA8] =	sst s5  }
0xe: {  	[smem:$0x3FA9] =	sst s6  }
0xf: {  	[smem:$0x3FAA] =	sst s7  }
0x10: {  	[smem:$0x3FAB] =	sst s8  }
0x11: {  	[smem:$0x3FAC] =	sst s9;
	s0 =	simm.s32 @!p0 $0x0  }
0x12: {  	s1 =	sld [smem:$0x3F92];
	s0 =	simm.s32 @p0 $0x1  }
0x13: {  	[smem:$0x3FAD] =	sst s0;
	s0 =	simm.s32 @!p1 $0x0  }
0x14: {  	s2 =	sld [smem:$0x3F91];
	s0 =	simm.s32 @p1 $0x1  }
0x15: {  	[smem:$0x3FAE] =	sst s0;
	s0 =	simm.s32 @!p2 $0x0  }
0x16: {  	s3 =	sld [smem:$0x3FDB];
	s0 =	simm.s32 @p2 $0x1  }
0x17: {  	s4 =	simm.s32 $0x1BF5;
	[smem:$0x3FB0] =	sst s0  }
0x18: {  	s0 =	sld [smem:$0x3F93];
	_ =	swait.ge [sflag:s4], $0x0  }
0x19: {  	s7 =	sld [smem:$0x3F94]  }
0x1a: {  	s8 =	sadd.s32 $0xFFFFE003, lr  }
0x1b: {  	s9 =	sadd.s32 $0xFFFFFEF7, lr;
	s5 =	simm.s32 $0xFFFFFFFF;
	p2 =	slt.u32 s8, $0xFFFFF086  }
0x1c: {  	p1 =	slt.u32 s9, $0xF7A;
	s5 =	simm.s32 @!p2 $0x0  }
0x1d: {  	s5 =	simm.s32 @p1 $0x1;
	p0 =	seq.s32 s7, s2  }
0x1e: {  	s7 =	smul.u32 @!p0 $0xF7A, s2;
	p2 =	seq.s32 @!p0 s5, $0x0  }
0x1f: {  	s9 =	smul.u32 $0xF7A, s1;
	s8 =	simm.s32 @!p0 $0x1BF5;
	p2 =	por !p2, p0  }
0x20: {  	[sflag:s8] =	ssyncset.s32 @!p0 $0xFFFFF086;
	s6 =	sadd.s32 @!p0 s3, s7;
	s7 =	simm.s32 @!p0 $0x108  }
0x21: {  	s3 =	sadd.s32 s3, s9;
	s6 =	sadd.s32 @!p0 $0x88, s6;
	s7 =	simm.s32 @p2 $0x1082  }
0x22: {  	[simem:s7], [sflag:s8] =	dma.local @!p0 [hbm:s6], $0xF7A  }
0x23: {  	s9 =	sor.u32 $0xD0000000, s2;
	s6 =	simm.s32 $0x108;
	_ =	swait.ge @!p0 [sflag:s8], $0x0  }
0x24: {  	s3 =	sadd.s32 $0x88, s3;
	s6 =	simm.s32 @!p1 $0x1082;
	[sflag:s4] =	ssyncset.s32 $0xFFFFF086  }
0x25: {  	[simem:s6], [sflag:s4] =	dma.local [hbm:s3], $0xF7A  }
0x26: {  	[smem:$0x3F94] =	sst s1;
	(tag) =	ssettag s2;
	_ =	strace s9  }
0x27: {  	s1 =	sld [smem:$0x3FA4]  }
0x28: {  	s2 =	sld [smem:$0x3FA5]  }
0x29: {  	s4 =	sld [smem:$0x3FA7]  }
0x2a: {  	p0 =	seq.s32 s5, $0x0;
	s5 =	sld [smem:$0x3FA8]  }
0x2b: {  	s6 =	sld [smem:$0x3FA9]  }
0x2c: {  	s7 =	sld [smem:$0x3FAA]  }
0x2d: {  	s3 =	simm.s32 $0x108;
	s8 =	sld [smem:$0x3FAB]  }
0x2e: {  	s3 =	simm.s32 @!p0 $0x1082;
	s9 =	sld [smem:$0x3FAC]  }
0x2f: {  	lr =	sadd.s32 s0, s3;
	s0 =	sld [smem:$0x3FA3]  }
0x30: {  	s3 =	sld [smem:$0x3FA6]  }
0x31: {  	[smem:$0x3FAF] =	sst s10  }
0x32: {  	s10 =	sld [smem:$0x3FAD];
	_ =	sdelay $0x3  }
0x33: {  	p0 =	seq.s32 s10, $0x1;
	s10 =	sld [smem:$0x3FAF];
	_ =	sdelay $0x3  }
0x34: {  	[smem:$0x3FAF] =	sst s10  }
0x35: {  	s10 =	sld [smem:$0x3FAE];
	_ =	sdelay $0x3  }
0x36: {  	p1 =	seq.s32 s10, $0x1;
	s10 =	sld [smem:$0x3FAF];
	_ =	sdelay $0x3  }
0x37: {  	[smem:$0x3FAF] =	sst s10  }
0x38: {  	s10 =	sld [smem:$0x3FB0]  }
0x39: {  	_ = 	snop;
	(pc) =	sbr.ind lr, $3  }
0x3a: {  	_ = 	snop  }
0x3b: {  	_ = 	snop  }
0x3c: {  	p2 =	seq.s32 s10, $0x1;
	s10 =	sld [smem:$0x3FAF]  }
0x3d: {  	_ =	shalt  }
0x3e: {  	_ =	shalt  }
0x3f: {  	_ =	shalt  }
0x40: {  	_ =	shalt  }
0x41: {  	_ =	shalt  }
0x42: {  	_ =	shalt  }
0x43: {  	_ =	shalt  }
0x44: {  	_ =	shalt  }
0x45: {  	_ =	shalt  }
0x46: {  	_ =	shalt  }
0x47: {  	_ =	shalt  }
0x48: {  	_ =	shalt  }
0x49: {  	_ =	shalt  }
0x4a: {  	_ =	shalt  }
0x4b: {  	_ =	shalt  }
0x4c: {  	_ =	shalt  }
0x4d: {  	_ =	shalt  }
0x4e: {  	_ =	shalt  }
0x4f: {  	_ =	shalt  }
0x50: {  	_ =	shalt  }
0x51: {  	_ =	shalt  }
0x52: {  	_ =	shalt  }
0x53: {  	_ =	shalt  }
0x54: {  	_ =	shalt  }
0x55: {  	_ =	shalt  }
0x56: {  	_ =	shalt  }
0x57: {  	_ =	shalt  }
0x58: {  	_ =	shalt  }
0x59: {  	_ =	shalt  }
0x5a: {  	_ =	shalt  }
0x5b: {  	_ =	shalt  }
0x5c: {  	_ =	shalt  }
0x5d: {  	_ =	shalt  }
0x5e: {  	_ =	shalt  }
0x5f: {  	_ =	shalt  }
0x60: {  	_ =	shalt  }
0x61: {  	_ =	shalt  }
0x62: {  	_ =	shalt  }
0x63: {  	_ =	shalt  }
0x64: {  	_ =	shalt  }
0x65: {  	_ =	shalt  }
0x66: {  	_ =	shalt  }
0x67: {  	_ =	shalt  }
0x68: {  	_ =	shalt  }
0x69: {  	_ =	shalt  }
0x6a: {  	_ =	shalt  }
0x6b: {  	_ =	shalt  }
0x6c: {  	_ =	shalt  }
0x6d: {  	_ =	shalt  }
0x6e: {  	_ =	shalt  }
0x6f: {  	_ =	shalt  }
0x70: {  	_ =	shalt  }
0x71: {  	_ =	shalt  }
0x72: {  	_ =	shalt  }
0x73: {  	_ =	shalt  }
0x74: {  	_ =	shalt  }
0x75: {  	_ =	shalt  }
0x76: {  	_ =	shalt  }
0x77: {  	_ =	shalt  }
0x78: {  	_ =	shalt  }
0x79: {  	_ =	shalt  }
0x7a: {  	_ =	shalt  }
0x7b: {  	_ =	shalt  }
0x7c: {  	_ =	shalt  }
0x7d: {  	_ =	shalt  }
0x7e: {  	_ =	shalt  }
0x7f: {  	_ =	shalt  }
0x80: {  	_ =	shalt  }
0x81: {  	_ =	shalt  }
0x82: {  	_ =	shalt  }
0x83: {  	_ =	shalt  }
0x84: {  	_ =	shalt  }
0x85: {  	_ =	shalt  }
0x86: {  	_ =	shalt  }
0x87: {  	_ =	shalt  }
.Lfunc_end0:
.L_simem_size_0:
called_computation_lowered:
.L_overlay_start_0:
0x88: {  	s2 =	sld [smem:$0x3FD9]  }
0x89: {  	s3 =	sld [smem:$0x3FFE];
	_ =	sdelay $0x1  }
0x8a: {  	s1 =	srdreg.scid  }
0x8b: {  	s0 =	sand.u32 $0x1, s1  }
0x8c: {  	s16 =	sshll.u32 s0, $0xA;
	s2 =	sadd.s32 s3, s2  }
0x8d: {  	s2 =	sadd.s32 s2, s16  }
0x8e: {  	[smem:$0x3FBB] =	sst s2  }
0x8f: {  	_ = 	snop  }
0x90: {  	(tm) =	ssettm $0x1  }
0x91: {  	s17 =	sld [smem:$0x3FFB];
	_ =	sdelay $0x3  }
0x92: {  	_ =	strace s17  }
0x93: {  	s2 =	sld [smem:$0x3FFC];
	_ =	sdelay $0x3  }
0x94: {  	_ =	strace s2  }
0x95: {  	s2 =	sld [smem:$0x3FFD];
	_ =	sdelay $0x3  }
0x96: {  	_ =	strace s2  }
0x97: {  	_ =	strace $0x8FFFFFFF  }
0x98: {  	s18 =	sld [smem:$0x3FDB];
	_ =	sdelay $0x1  }
0x99: {  	s19 =	simm.s32 $_scs_section_size  }
0x9a: {  	s4 =	simm.s32 $_size__tile_overlayer_lowered;
	s5 =	simm.s32 $_tile_overlayer_lowered  }
0x9b: {  	s22 =	simm.s32 $0x1BFF;
	s21 =	sshll.u32 s5, $0x1;
	s2 =	sadd.s32 s19, s18  }
0x9c: {  	s6 =	simm.s32 $0x0;
	s20 =	sshll.u32 s4, $0x1;
	s4 =	sadd.s32 s21, s2  }
0x9d: {  	[timem:s6], [sflag:s22] =	dma.local [hbm:s4], s20  }
0x9e: {  	_ =	swait.ge [sflag:s22], s20  }
0x9f: {  	s3 =	ssub.s32 $0x0, s20;
	[sflag:s22] =	ssyncset.done $0x0  }
0xa0: {  	[sflag:s22] =	ssyncadd.s32 s3;
	_ =	sdelay $0x1  }
0xa1: {  	s23 =	simm.s32 $0x1B8B  }
0xa2: {  	_ =	swait.ge [sflag:s23], $0x1  }
0xa3: {  	[sflag:s23] =	ssyncset.done $0x0  }
0xa4: {  	s25 =	simm.s32 $0x1B8E;
	s24 =	sld [smem:$0x3FFE];
	[sflag:s23] =	ssyncadd.s32 $0xFFFFFFFF  }
0xa5: {  	s26 =	simm.s32 $execute0_lowered;
	[smem:$0x3FD2] =	sst s25  }
0xa6: {  	s4 =	sshll.u32 s26, $0x1;
	_ =	strace $0x80000046;
	[dreg:$0x1] =	wrdreg $0xFFFFFFFF  }
0xa7: {  	s28 =	simm.s32 $_size_execute0_lowered;
	s2 =	sadd.s32 s2, s4;
	[dreg:$0x0] =	wrdreg $0x0  }
0xa8: {  	s4 =	sshll.u32 s28, $0x1;
	[dreg:$0x2] =	wrdreg s2  }
0xa9: {  	[dreg:$0x3] =	wrdreg s4  }
0xaa: {  	[dreg:$0x4] =	wrdreg $0xC0  }
0xab: {  	_ =	task [dreg:s6], $0x5FFFF  }
0xac: {  	[dreg:$0x1] =	wrdreg $0xFFFFFFFF  }
0xad: {  	[dreg:$0x0] =	wrdreg $0x60  }
0xae: {  	[dreg:$0x2] =	wrdreg s24  }
0xaf: {  	[dreg:$0x3] =	wrdreg $0x68000  }
0xb0: {  	[dreg:$0x4] =	wrdreg $0x9  }
0xb1: {  	_ =	task.clear_ibuf [dreg:s6], $0x5FFFF;
	_ =	strace $0x90000046  }
0xb2: {  	s29 =	simm.s32 $0x9;
	_ =	strace $0x80000048  }
0xb3: {  	_ =	swait.ge [sflag:s29], $0x1  }
0xb4: {  	[sflag:s29] =	ssyncadd.s32 $0xFFFFFFFF  }
0xb5: {  	_ =	strace $0x90000048  }
0xb6: {  	_ =	sfence  }
0xb7: {  	s30 =	sld [smem:$0x0];
	_ =	sdelay $0x2  }
0xb8: {  	s31 =	sshll.u32 s1, $0xD;
	s1 =	sshrl.u32 s1, $0x2  }
0xb9: {  	s3 =	sand.u32 $0x4000, s31;
	s1 =	sadd.s32 s1, s30  }
0xba: {  	s0 =	sor.u32 s3, s0;
	s1 =	sshll.u32 s1, $0x11  }
0xbb: {  	s0 =	sor.u32 s1, s0  }
0xbc: {  	s0 =	sadd.s32 $0x8F2B, s0  }
0xbd: {  	[sflag:s0] =	ssyncadd.remote.s32 $0x1  }
0xbe: {  	_ =	sfence.sel $0xFFFF  }
0xbf: {  	[dreg:$0x0] =	wrdreg $0xFFFFFFFF;
	(pc) =	sbr.abs _section_cstart, $3  }
0xc0: {  	[dreg:$0x1] =	wrdreg $0xFFFFFFFF  }
0xc1: {  	_ =	task.clear_ibuf [dreg:s6], $0x2FFFF;
	_ =	strace $0x9FFFFFFF  }
0xc2: {  	(tm) =	ssettm $0x7FFFFFFF  }
0xc3: {  	_ =	shalt  }
tec
execute0_lowered:
.L_overlay_start_1:
0x0: {  	(tag) =	ssettag $0x1  }
0x1: {  	s5 =	rddreg [dreg:$0x0]  }
0x2: {  	s2 =	rddreg [dreg:$0x1]  }
0x3: {  	s0 =	rddreg [dreg:$0x2]  }
0x4: {  	s4 =	srdreg.scid;
	s1 =	stileid.u32  }
0x5: {  	s3 =	simm.s32 $0x0;
	s14 =	simm.s32 $0x80;
	s15 =	simm.s32 $0x100  }
0x6: {  	s16 =	simm.s32 $0x180;
	s17 =	simm.s32 $0x200;
	s18 =	simm.s32 $0x1  }
0x7: {  	s19 =	simm.s32 $0x2;
	s20 =	simm.s32 $0x3;
	s21 =	simm.s32 $0x4  }
0x8: {  	s22 =	simm.s32 $0x5;
	s23 =	simm.s32 $0x0;
	s7 =	smul.u32 $0x14000, s1  }
0x9: {  	s6 =	sand.u32 $0x1, s4;
	[smem:$0x7FF] =	sst s3;
	s25 =	smul.u32 $0x50000, s1  }
0xa: {  	s29 =	sshll.u32 s1, $0xC;
	s30 =	sshll.u32 s1, $0x6;
	s4 =	sshll.u32 s6, $0xB  }
0xb: {  	s8 =	smul.u32 $0x140000, s6;
	_ =	strace $0x80000047;
	s6 =	ssub.s32 $0x2, s6  }
0xc: {  	s9 =	sadd.s32 s4, s5;
	s4 =	sadd.s32 $0x3B400, s5;
	s10 =	sshrl.u32 s7, $0x3  }
0xd: {  	s26 =	sshrl.u32 s6, $0x1;
	s28 =	sshrl.u32 s25, $0x2;
	s7 =	sadd.s32 s7, s8  }
0xe: {  	s10 =	sadd.s32 s10, s5;
	s12 =	ssub.s32 s6, s26;
	s13 =	sadd.s32 s28, s2  }
0xf: {  	s31 =	sadd.s32 s29, s9;
	s6 =	sor.u32 $0x1C06, s30;
	s7 =	sshrl.u32 s7, $0x3  }
0x10: {  	s9 =	smax.u32 s12, $0x1;
	s12 =	simm.s32 $0x4000;
	s11 =	sadd.s32 s7, s5  }
0x11: {  	s5 =	sadd.s32 $0x13400, s10;
	s7 =	sadd.s32 $0x3400, s31;
	s10 =	sshrl.u32 s13, $0x3  }
0x12: {  	s13 =	simm.s32 $0x50;
	s8 =	sadd.s32 $0x3BA00, s11;
	s11 =	simm.s32 $0x6  }
.LBB2_1:
0x13: {  	[spmem:s10], [sflag:s6] =	dma.local [hbm:s5], $0x2800  }
0x14: {  	_ =	swait.ge [sflag:s11], $0x2800  }
0x15: {  	[sflag:s11] =	ssyncset.done $0x0  }
0x16: {  	[sflag:s11] =	ssyncadd.s32 $0xFFFFD800  }
0x17: {  	[tilespmem:s3], [sflag:$0x6] =	stream.linear.gather [hbm4b:s7+s3], $0x3E80, $0x38;
	[tilespmem:$0x1A800] =	vst v63  }
0x18: {  	_ =	swait.ge [sflag:s11], $0x3E80  }
0x19: {  	[sflag:s11] =	ssyncset.done $0x0  }
0x1a: {  	[sflag:s11] =	ssyncadd.s32 $0xFFFFC180  }
0x1b: {  	[tilespmem:s12], [sflag:$0x6] =	stream.linear.gather [hbm4b:s4+s3], $0x2800, $0x38;
	[tilespmem:$0x1A800] =	vst v63  }
0x1c: {  	_ =	swait.ge [sflag:s11], $0x2800  }
0x1d: {  	[sflag:s11] =	ssyncset.done $0x0  }
0x1e: {  	[sflag:s11] =	ssyncadd.s32 $0xFFFFD800  }
0x1f: {  	[bflag:$0x0] =	sbarrier.arrive $0xFFFF  }
0x20: {  	[spmem:s2] =	stream.indirect.scatter.add.f32 [tilespmem:s12], [sflag:$0x1], $0x80, s3, s13, $0xb8;
	[tilespmem:$0x1A800] =	vst v63  }
0x21: {  	_ = 	snop  }
0x22: {  	[spmem:s2] =	stream.indirect.scatter.add.f32 [tilespmem:s12], [sflag:$0x2], $0x80, s14, s13, $0xb8;
	[tilespmem:$0x1A800] =	vst v63  }
0x23: {  	_ = 	snop  }
0x24: {  	[spmem:s2] =	stream.indirect.scatter.add.f32 [tilespmem:s12], [sflag:$0x3], $0x80, s15, s13, $0xb8;
	[tilespmem:$0x1A800] =	vst v63  }
0x25: {  	_ = 	snop  }
0x26: {  	[spmem:s2] =	stream.indirect.scatter.add.f32 [tilespmem:s12], [sflag:$0x4], $0x80, s16, s13, $0xb8;
	[tilespmem:$0x1A800] =	vst v63  }
0x27: {  	_ = 	snop  }
0x28: {  	[spmem:s2] =	stream.indirect.scatter.add.f32 [tilespmem:s12], [sflag:$0x5], $0x80, s17, s13, $0xb8;
	[tilespmem:$0x1A800] =	vst v63  }
0x29: {  	_ =	swait.ge [sflag:s18], $0x2800  }
0x2a: {  	[sflag:s18] =	ssyncset.done $0x0  }
0x2b: {  	s24 =	simm.s32 $0x280;
	[sflag:s18] =	ssyncadd.s32 $0xFFFFD800  }
0x2c: {  	[spmem:s2] =	stream.indirect.scatter.add.f32 [tilespmem:s12], [sflag:$0x1], $0x80, s24, s13, $0xb8;
	[tilespmem:$0x1A800] =	vst v63  }
0x2d: {  	_ =	swait.ge [sflag:s19], $0x2800  }
0x2e: {  	[sflag:s19] =	ssyncset.done $0x0  }
0x2f: {  	s29 =	simm.s32 $0x300;
	[sflag:s19] =	ssyncadd.s32 $0xFFFFD800  }
0x30: {  	[spmem:s2] =	stream.indirect.scatter.add.f32 [tilespmem:s12], [sflag:$0x2], $0x80, s29, s13, $0xb8;
	[tilespmem:$0x1A800] =	vst v63  }
0x31: {  	_ =	swait.ge [sflag:s20], $0x2800  }
0x32: {  	[sflag:s20] =	ssyncset.done $0x0  }
0x33: {  	s30 =	simm.s32 $0x380;
	[sflag:s20] =	ssyncadd.s32 $0xFFFFD800  }
0x34: {  	[spmem:s2] =	stream.indirect.scatter.add.f32 [tilespmem:s12], [sflag:$0x3], $0x80, s30, s13, $0xb8;
	[tilespmem:$0x1A800] =	vst v63  }
0x35: {  	_ =	swait.ge [sflag:s21], $0x2800  }
0x36: {  	[sflag:s21] =	ssyncset.done $0x0  }
0x37: {  	s31 =	simm.s32 $0x400;
	[sflag:s21] =	ssyncadd.s32 $0xFFFFD800  }
0x38: {  	[spmem:s2] =	stream.indirect.scatter.add.f32 [tilespmem:s12], [sflag:$0x4], $0x80, s31, s13, $0xb8;
	[tilespmem:$0x1A800] =	vst v63  }
0x39: {  	_ =	swait.ge [sflag:s22], $0x2800  }
0x3a: {  	[sflag:s22] =	ssyncset.done $0x0  }
0x3b: {  	s25 =	simm.s32 $0x480;
	s24 =	simm.s32 $0xFFFF1A00;
	[sflag:s22] =	ssyncadd.s32 $0xFFFFD800  }
.LBB2_2:
0x3c: {  	[spmem:s2] =	stream.indirect.scatter.add.f32 [tilespmem:s12], [sflag:$0x5], $0x80, s25, s13, $0xb8;
	[tilespmem:$0x1A800] =	vst v63  }
0x3d: {  	s25 =	smov.u32 s24  }
0x3e: {  	p0 =	sne.s32 s24, $0xFFFFF600;
	s24 =	sadd.s32 $0xA00, s24;
	_ =	swait.ge [sflag:s18], $0x2800  }
0x3f: {  	s25 =	sshra.s32 s25, $0x2;
	[sflag:s18] =	ssyncset.done $0x0  }
0x40: {  	s26 =	sadd.s32 $0x3E80, s25;
	[sflag:s18] =	ssyncadd.s32 $0xFFFFD800  }
0x41: {  	[spmem:s2] =	stream.indirect.scatter.add.f32 [tilespmem:s12], [sflag:$0x1], $0x80, s26, s13, $0xb8;
	[tilespmem:$0x1A800] =	vst v63  }
0x42: {  	_ =	swait.ge [sflag:s19], $0x2800  }
0x43: {  	[sflag:s19] =	ssyncset.done $0x0  }
0x44: {  	s26 =	sadd.s32 $0x3F00, s25;
	[sflag:s19] =	ssyncadd.s32 $0xFFFFD800  }
0x45: {  	[spmem:s2] =	stream.indirect.scatter.add.f32 [tilespmem:s12], [sflag:$0x2], $0x80, s26, s13, $0xb8;
	[tilespmem:$0x1A800] =	vst v63  }
0x46: {  	_ =	swait.ge [sflag:s20], $0x2800  }
0x47: {  	[sflag:s20] =	ssyncset.done $0x0  }
0x48: {  	s26 =	sadd.s32 $0x3F80, s25;
	[sflag:s20] =	ssyncadd.s32 $0xFFFFD800  }
0x49: {  	[spmem:s2] =	stream.indirect.scatter.add.f32 [tilespmem:s12], [sflag:$0x3], $0x80, s26, s13, $0xb8;
	[tilespmem:$0x1A800] =	vst v63  }
0x4a: {  	_ =	swait.ge [sflag:s21], $0x2800  }
0x4b: {  	[sflag:s21] =	ssyncset.done $0x0  }
.Ltmp0:
0x4c: {  	s26 =	sadd.s32 $0x4000, s25;
	[sflag:s21] =	ssyncadd.s32 $0xFFFFD800;
	(pc) =	sbr.rel @p0 .LBB2_2-.Ltmp0, $4  }
0x4d: {  	[spmem:s2] =	stream.indirect.scatter.add.f32 [tilespmem:s12], [sflag:$0x4], $0x80, s26, s13, $0xb8;
	[tilespmem:$0x1A800] =	vst v63  }
0x4e: {  	_ =	swait.ge [sflag:s22], $0x2800  }
0x4f: {  	[sflag:s22] =	ssyncset.done $0x0  }
0x50: {  	s25 =	sadd.s32 $0x4080, s25;
	[sflag:s22] =	ssyncadd.s32 $0xFFFFD800  }
0x51: {  	[spmem:s2] =	stream.indirect.scatter.add.f32 [tilespmem:s12], [sflag:$0x5], $0x80, s25, s13, $0xb8;
	[tilespmem:$0x1A800] =	vst v63  }
0x52: {  	_ =	swait.ge [sflag:s18], $0x2800  }
0x53: {  	[sflag:s18] =	ssyncset.done $0x0  }
0x54: {  	[sflag:s18] =	ssyncadd.s32 $0xFFFFD800  }
0x55: {  	_ =	swait.ge [sflag:s19], $0x2800  }
0x56: {  	[sflag:s19] =	ssyncset.done $0x0  }
0x57: {  	[sflag:s19] =	ssyncadd.s32 $0xFFFFD800  }
0x58: {  	_ =	swait.ge [sflag:s20], $0x2800  }
0x59: {  	[sflag:s20] =	ssyncset.done $0x0  }
0x5a: {  	[sflag:s20] =	ssyncadd.s32 $0xFFFFD800  }
0x5b: {  	_ =	swait.ge [sflag:s21], $0x2800  }
0x5c: {  	[sflag:s21] =	ssyncset.done $0x0  }
0x5d: {  	[sflag:s21] =	ssyncadd.s32 $0xFFFFD800  }
0x5e: {  	_ =	swait.ge [sflag:s22], $0x2800  }
0x5f: {  	s23 =	sadd.s32 $0x1, s23;
	[sflag:s22] =	ssyncset.done $0x0  }
0x60: {  	p0 =	sne.s32 s23, s9;
	[sflag:s22] =	ssyncadd.s32 $0xFFFFD800  }
.Ltmp1:
0x61: {  	[bflag:$0x0] =	sbarrier.arrive $0xFFFF;
	(pc) =	sbr.rel @p0 .LBB2_1-.Ltmp1, $4  }
0x62: {  	[hbm:s8], [sflag:s6] =	dma.local [spmem:s10], $0x2800  }
0x63: {  	_ =	swait.ge [sflag:s11], $0x2800  }
0x64: {  	[sflag:s11] =	ssyncset.done $0x0  }
0x65: {  	[sflag:s11] =	ssyncadd.s32 $0xFFFFD800  }
0x66: {  	_ =	sfence.sel $0x180000  }
0x67: {  	[bflag:$0x0] =	sbarrier.arrive $0xFFFF  }
0x68: {  	p0 =	sne.s32 s1, $0x0;
	_ =	strace $0x90000047  }
0x69: {  	s0 =	sadd.s32 @!p0 $0x100000, s0;
	[bflag:$0x2] =	sbarrier.arrive $0xFFFF  }
0x6a: {  	[sflag:s0] =	ssyncadd.tile.s32 @!p0 $0x1;
	_ =	shalt  }
.Lfunc_end2:
_tile_overlayer_lowered:
.L_overlay_start_2:
0x6b: {  	(tag) =	ssettag $0x2  }
0x6c: {  	s0 =	rddreg [dreg:$0x0];
	s2 =	stileid.u32  }
0x6d: {  	s1 =	rddreg [dreg:$0x1];
	p0 =	sne.s32 s2, $0x0  }
0x6e: {  	s3 =	rddreg [dreg:$0x2];
	[bflag:$0x3] =	sbarrier.arrive $0xFFFF;
	s2 =	simm.s32 @!p0 $0x1C06  }
0x6f: {  	[timem:s3], [sflag:s2] =	dma.local @!p0 [hbm:s0], s1  }
0x70: {  	s0 =	simm.s32 @!p0 $0x6  }
0x71: {  	_ =	swait.ge @!p0 [sflag:s0], s1  }
0x72: {  	s1 =	ssub.s32 @!p0 $0x0, s1;
	[sflag:s0] =	ssyncset.done @!p0 $0x0  }
0x73: {  	[sflag:s0] =	ssyncadd.s32 @!p0 s1  }
0x74: {  	[bflag:$0x3] =	sbarrier.arrive $0xFFFF  }
0x75: {  	_ =	shalt  }

</sc_bundles>
